<compile_context>
chip_gen: v7x
topology: tpu7x:2x2x1
jax: 0.10.2.dev20260603
libtpu: 0.0.44.dev20260713+nightly
codegen_flags: <defaults>
</compile_context>

<pallas_src>
import jax
import jax.numpy as jnp
import numpy as np
from jax.experimental import pallas as pl
from jax.experimental.pallas import tpu as pltpu
from jax.experimental.pallas import tpu_sc as plsc
from jax import lax

T = 1000
TPAD = 1024
B = 128
R = 1176
C = 128
L = R * C
BB = 2

_K1 = np.uint32(42)
_K2 = np.uint32(0x1BD11BDA ^ 42)

_PC = (np.float32(1.2515922), np.float32(-0.23166679),
       np.float32(0.005711901), np.float32(0.0009422927),
       np.float32(2.9009212e-05))
_UMAX = np.float32(0.99999994)


def _table_body(beta_ref, t1_ref, t2_ref):
    la = jnp.log1p(-beta_ref[0, :])
    i = jax.lax.broadcasted_iota(jnp.int32, (TPAD, TPAD), 0)
    j = jax.lax.broadcasted_iota(jnp.int32, (TPAD, TPAD), 1)
    s = jnp.sum(jnp.where(j <= i, la[None, :], 0.0), axis=1, keepdims=True)
    cp = jnp.exp(s)
    t1_ref[...] = jnp.broadcast_to(jnp.sqrt(cp), (TPAD, 128))
    t2_ref[...] = jnp.broadcast_to(jnp.sqrt(1.0 - cp), (TPAD, 128))


_SC_W = 16
_SC_BPW = B // _SC_W


def _sc_gather_body(t1_hbm, t2_hbm, ts_hbm, o1_hbm, o2_hbm,
                    idx_v, r1_v, r2_v, sem1, sem2):
    wid = lax.axis_index("s") * 2 + lax.axis_index("c")

    @pl.when(wid < _SC_W)
    def _():
        base = wid * _SC_BPW
        pltpu.sync_copy(ts_hbm.at[pl.ds(base, _SC_BPW)], idx_v)
        c1 = pltpu.async_copy(t1_hbm.at[idx_v], r1_v, sem1)
        c2 = pltpu.async_copy(t2_hbm.at[idx_v], r2_v, sem2)
        c1.wait()
        c2.wait()
        pltpu.sync_copy(r1_v, o1_hbm.at[pl.ds(base, _SC_BPW)])
        pltpu.sync_copy(r2_v, o2_hbm.at[pl.ds(base, _SC_BPW)])


def _rotl(v, r):
    return (v << np.uint32(r)) | (v >> np.uint32(32 - r))


def _main_body(sa_ref, sb_ref, jb_ref, x_ref, out_ref, noise_ref):
    pid = pl.program_id(0)
    for bi in range(BB):
        b = pid * BB + bi
        base = (b * L).astype(jnp.uint32)
        x1 = jb_ref[0] + base
        x0 = x1
        x1 = _rotl(x1, 13) ^ x0
        for r in (15, 26, 6):
            x0 = x0 + x1
            x1 = _rotl(x1, r) ^ x0
        x0 = x0 + _K1
        x1 = x1 + np.uint32(_K2 + 1)
        for r in (17, 29, 16, 24):
            x0 = x0 + x1
            x1 = _rotl(x1, r) ^ x0
        x0 = x0 + _K2
        x1 = x1 + np.uint32(2)
        for r in (13, 15, 26, 6):
            x0 = x0 + x1
            x1 = _rotl(x1, r) ^ x0
        x1 = x1 + np.uint32(_K1 + 3)
        for r in (17, 29, 16, 24):
            x0 = x0 + x1
            x1 = _rotl(x1, r) ^ x0
        x0 = x0 + _K1
        x1 = x1 + np.uint32(_K2 + 4)
        for r in (13, 15, 26, 6):
            x0 = x0 + x1
            x1 = _rotl(x1, r) ^ x0
        x0 = x0 + _K2
        x1 = x1 + np.uint32((5 + 0x80000000) & 0xFFFFFFFF)
        sbits = jax.lax.bitcast_convert_type(x0 ^ x1, jnp.int32)

        u = sbits.astype(jnp.float32) * np.float32(2.0 ** -31)
        u = jnp.minimum(jnp.maximum(u, -_UMAX), _UMAX)
        y = jnp.log2(1.0 - u * u)
        p = (((_PC[4] * y + _PC[3]) * y + _PC[2]) * y + _PC[1]) * y + _PC[0]
        z = u * p

        noise_ref[bi] = z
        sa = sa_ref[b, 0]
        sb = sb_ref[b, 0]
        out_ref[bi] = sa * x_ref[bi] + sb * z


@jax.jit
def kernel(x, timestep, beta_schedule):
    beta = jnp.pad(beta_schedule, (0, TPAD - T)).reshape(1, TPAD)
    t1, t2 = pl.pallas_call(
        _table_body,
        in_specs=[pl.BlockSpec((1, TPAD), lambda: (0, 0))],
        out_specs=[
            pl.BlockSpec((TPAD, 128), lambda: (0, 0)),
            pl.BlockSpec((TPAD, 128), lambda: (0, 0)),
        ],
        out_shape=[
            jax.ShapeDtypeStruct((TPAD, 128), jnp.float32),
            jax.ShapeDtypeStruct((TPAD, 128), jnp.float32),
        ],
    )(beta)

    mesh = plsc.VectorSubcoreMesh(core_axis_name="c", subcore_axis_name="s")
    sc_gather = pl.kernel(
        _sc_gather_body,
        mesh=mesh,
        out_type=[
            jax.ShapeDtypeStruct((B, 128), jnp.float32),
            jax.ShapeDtypeStruct((B, 128), jnp.float32),
        ],
        scratch_types=[
            pltpu.VMEM((_SC_BPW,), jnp.int32),
            pltpu.VMEM((_SC_BPW, 128), jnp.float32),
            pltpu.VMEM((_SC_BPW, 128), jnp.float32),
            pltpu.SemaphoreType.DMA,
            pltpu.SemaphoreType.DMA,
        ],
    )
    g1, g2 = sc_gather(t1, t2, timestep)
    sa = g1[:, :1]
    sb = g2[:, :1]

    jb = (jnp.arange(L, dtype=jnp.uint32) + jnp.uint32(42)).reshape(1, R, C)
    x3 = x.reshape(B, R, C)
    out, noise = pl.pallas_call(
        _main_body,
        grid=(B // BB,),
        in_specs=[
            pl.BlockSpec(memory_space=pltpu.SMEM),
            pl.BlockSpec(memory_space=pltpu.SMEM),
            pl.BlockSpec((1, R, C), lambda i: (0, 0, 0)),
            pl.BlockSpec((BB, R, C), lambda i: (i, 0, 0)),
        ],
        out_specs=[
            pl.BlockSpec((BB, R, C), lambda i: (i, 0, 0)),
            pl.BlockSpec((BB, R, C), lambda i: (i, 0, 0)),
        ],
        out_shape=[
            jax.ShapeDtypeStruct((B, R, C), x.dtype),
            jax.ShapeDtypeStruct((B, R, C), x.dtype),
        ],
    )(sa, sb, jb, x3)
    return out.reshape(x.shape), noise.reshape(x.shape)

# --- scband reference (transcript-rebuilt; emitter-appended) ---
"""Pipeline reference for scband-q-sampler-4449586119136 (READ-ONLY COPY).

The authoritative reference and input builder live on the scoring server;
editing this copy changes nothing except your own understanding.
"""

import jax, jax.numpy as jnp
import numpy as np

T = 1000

def setup_inputs(seed: int = 0) -> dict:
    key = jax.random.key(seed)
    k1, k2 = jax.random.split(key)
    x = jax.random.normal(k1, (128, 3, 224, 224), dtype=jnp.float32)
    timestep = jax.random.randint(k2, (128,), 0, T).astype(jnp.int32)
    beta_schedule = jnp.linspace(1e-4, 0.02, T, dtype=jnp.float32)
    return {"x": x, "timestep": timestep, "beta_schedule": beta_schedule}


def reference(x, timestep, beta_schedule):
    # calculate_alphas (done at init in the torch module)
    alphas = 1.0 - beta_schedule
    alphas_cumprod = jnp.cumprod(alphas, axis=0)
    sqrt_cumprod = jnp.sqrt(alphas_cumprod)
    sqrt_cumprod_compliment = jnp.sqrt(1.0 - alphas_cumprod)

    # forward: noise ~ randn_like(x) (deterministic key stands in for torch.randn_like)
    noise = jax.random.normal(jax.random.key(42), x.shape, dtype=x.dtype)

    batch_size = timestep.shape[0]
    # extract_alpha: gather along last dim, reshape to (B, 1, 1, ...)
    bshape = (batch_size,) + (1,) * (x.ndim - 1)
    sqrt_alphas_cumprod_t = jnp.take(sqrt_cumprod, timestep, axis=-1).reshape(bshape)
    sqrt_one_minus_alphas_cumprod_t = jnp.take(sqrt_cumprod_compliment, timestep, axis=-1).reshape(bshape)

    return (sqrt_alphas_cumprod_t * x + sqrt_one_minus_alphas_cumprod_t * noise, noise)

if __name__ == "__main__":
    import jax
    _d = setup_inputs()
    print(jax.jit(kernel)(*tuple(_d.values())))

</pallas_src>

<mosaic_0001>
#map = affine_map<(d0, d1) -> (0, 0)>
#map1 = affine_map<(d0, d1) -> (0)>
module attributes {stable_mosaic.version = 14 : i64} {
  func.func @_sc_gather_body(%arg0: i32, %arg1: i32, %arg2: memref<1024x128xf32, #tpu.memory_space<hbm>>, %arg3: memref<1024x128xf32, #tpu.memory_space<hbm>>, %arg4: memref<128xi32, #tpu.memory_space<hbm>>, %arg5: memref<128x128xf32, #tpu.memory_space<hbm>>, %arg6: memref<128x128xf32, #tpu.memory_space<hbm>>, %arg7: memref<8xi32, #tpu.memory_space<vmem>>, %arg8: memref<8x128xf32, #tpu.memory_space<vmem>>, %arg9: memref<8x128xf32, #tpu.memory_space<vmem>>, %arg10: memref<!tpu.dma_semaphore, #tpu.memory_space<semaphore_mem>>, %arg11: memref<!tpu.dma_semaphore, #tpu.memory_space<semaphore_mem>>) attributes {dimension_semantics = [#tpu.dimension_semantics<core_parallel>, #tpu.dimension_semantics<subcore_parallel>], iteration_bounds = array<i64: 2, 16>, scalar_prefetch = 0 : i64, scratch_operands = 5 : i64, tpu.core_type = #tpu.core_type<sc_vector_subcore>, window_params = [{transform_indices = #map}, {transform_indices = #map}, {transform_indices = #map1}, {transform_indices = #map}, {transform_indices = #map}]} {
    %mul3A = arith.constant 2 : i32
    %mul3A_0 = arith.muli %arg1, %mul3A : i32
    %add3A = arith.addi %mul3A_0, %arg0 : i32
    %lt3A = arith.constant 16 : i32
    %lt3A_1 = arith.cmpi slt, %add3A, %lt3A : i32
    %convert_element_type3A = arith.extui %lt3A_1 : i1 to i32
    %cond3A = arith.constant 0 : i32
    %cond3A_2 = arith.cmpi ne, %convert_element_type3A, %cond3A : i32
    scf.if %cond3A_2 {
      %mul3A_3 = arith.constant 8 : i32
      %mul3A_4 = arith.muli %add3A, %mul3A_3 : i32
      "tpu.region"() ({
        %run_scoped3A = tpu.sem_alloc : memref<!tpu.dma_semaphore, #tpu.memory_space<semaphore_mem>>
        %dma_start3A_15 = tpu.memref_slice %arg4[%mul3A_4] : memref<128xi32, #tpu.memory_space<hbm>> -> memref<8xi32, #tpu.memory_space<hbm>>
        %dma_start3A_16 = tpu.memref_slice %arg4[%mul3A_4] : memref<128xi32, #tpu.memory_space<hbm>> -> memref<8xi32, #tpu.memory_space<hbm>>
        tpu.enqueue_dma source(%dma_start3A_16 : memref<8xi32, #tpu.memory_space<hbm>>) target(%arg7 : memref<8xi32, #tpu.memory_space<vmem>>) target_semaphore(%run_scoped3A : memref<!tpu.dma_semaphore, #tpu.memory_space<semaphore_mem>>)
        %dma_wait3A_17 = tpu.memref_slice %arg4[%mul3A_4] : memref<128xi32, #tpu.memory_space<hbm>> -> memref<8xi32, #tpu.memory_space<hbm>>
        %dma_wait3A_18 = tpu.memref_slice %arg4[%mul3A_4] : memref<128xi32, #tpu.memory_space<hbm>> -> memref<8xi32, #tpu.memory_space<hbm>>
        tpu.wait_dma2 semaphore(%run_scoped3A : memref<!tpu.dma_semaphore, #tpu.memory_space<semaphore_mem>>) src(%dma_wait3A_18 : memref<8xi32, #tpu.memory_space<hbm>>) dst(%arg7 : memref<8xi32, #tpu.memory_space<vmem>>)
        tpu.yield
      }) : () -> ()
      %dma_start3A = arith.constant 0 : i32
      %dma_start3A_5 = arith.constant 0 : i32
      %dma_start3A_6 = tpu.memref_slice %arg2[%dma_start3A, %dma_start3A_5] : memref<1024x128xf32, #tpu.memory_space<hbm>> -> memref<1024x128xf32, #tpu.memory_space<hbm>>
      tpu.enqueue_indirect_dma source(%dma_start3A_6 : memref<1024x128xf32, #tpu.memory_space<hbm>>) target(%arg8 : memref<8x128xf32, #tpu.memory_space<vmem>>) offsets(%arg7 : memref<8xi32, #tpu.memory_space<vmem>>) semaphore(%arg10 : memref<!tpu.dma_semaphore, #tpu.memory_space<semaphore_mem>>)
      %dma_start3A_7 = arith.constant 0 : i32
      %dma_start3A_8 = arith.constant 0 : i32
      %dma_start3A_9 = tpu.memref_slice %arg3[%dma_start3A_7, %dma_start3A_8] : memref<1024x128xf32, #tpu.memory_space<hbm>> -> memref<1024x128xf32, #tpu.memory_space<hbm>>
      tpu.enqueue_indirect_dma source(%dma_start3A_9 : memref<1024x128xf32, #tpu.memory_space<hbm>>) target(%arg9 : memref<8x128xf32, #tpu.memory_space<vmem>>) offsets(%arg7 : memref<8xi32, #tpu.memory_space<vmem>>) semaphore(%arg11 : memref<!tpu.dma_semaphore, #tpu.memory_space<semaphore_mem>>)
      %dma_wait3A = arith.constant 0 : i32
      %dma_wait3A_10 = arith.constant 0 : i32
      %dma_wait3A_11 = tpu.memref_slice %arg2[%dma_wait3A, %dma_wait3A_10] : memref<1024x128xf32, #tpu.memory_space<hbm>> -> memref<1024x128xf32, #tpu.memory_space<hbm>>
      tpu.wait_indirect_dma semaphore(%arg10 : memref<!tpu.dma_semaphore, #tpu.memory_space<semaphore_mem>>) src(%dma_wait3A_11 : memref<1024x128xf32, #tpu.memory_space<hbm>>) dst(%arg8 : memref<8x128xf32, #tpu.memory_space<vmem>>)
      %dma_wait3A_12 = arith.constant 0 : i32
      %dma_wait3A_13 = arith.constant 0 : i32
      %dma_wait3A_14 = tpu.memref_slice %arg3[%dma_wait3A_12, %dma_wait3A_13] : memref<1024x128xf32, #tpu.memory_space<hbm>> -> memref<1024x128xf32, #tpu.memory_space<hbm>>
      tpu.wait_indirect_dma semaphore(%arg11 : memref<!tpu.dma_semaphore, #tpu.memory_space<semaphore_mem>>) src(%dma_wait3A_14 : memref<1024x128xf32, #tpu.memory_space<hbm>>) dst(%arg9 : memref<8x128xf32, #tpu.memory_space<vmem>>)
      "tpu.region"() ({
        %run_scoped3A = tpu.sem_alloc : memref<!tpu.dma_semaphore, #tpu.memory_space<semaphore_mem>>
        %dma_start3A_15 = arith.constant 0 : i32
        %dma_start3A_16 = tpu.memref_slice %arg5[%mul3A_4, %dma_start3A_15] : memref<128x128xf32, #tpu.memory_space<hbm>> -> memref<8x128xf32, #tpu.memory_space<hbm>>
        %dma_start3A_17 = arith.constant 0 : i32
        %dma_start3A_18 = tpu.memref_slice %arg5[%mul3A_4, %dma_start3A_17] : memref<128x128xf32, #tpu.memory_space<hbm>> -> memref<8x128xf32, #tpu.memory_space<hbm>>
        tpu.enqueue_dma source(%arg8 : memref<8x128xf32, #tpu.memory_space<vmem>>) target(%dma_start3A_18 : memref<8x128xf32, #tpu.memory_space<hbm>>) target_semaphore(%run_scoped3A : memref<!tpu.dma_semaphore, #tpu.memory_space<semaphore_mem>>)
        %dma_wait3A_19 = arith.constant 0 : i32
        %dma_wait3A_20 = tpu.memref_slice %arg5[%mul3A_4, %dma_wait3A_19] : memref<128x128xf32, #tpu.memory_space<hbm>> -> memref<8x128xf32, #tpu.memory_space<hbm>>
        %dma_wait3A_21 = arith.constant 0 : i32
        %dma_wait3A_22 = tpu.memref_slice %arg5[%mul3A_4, %dma_wait3A_21] : memref<128x128xf32, #tpu.memory_space<hbm>> -> memref<8x128xf32, #tpu.memory_space<hbm>>
        tpu.wait_dma2 semaphore(%run_scoped3A : memref<!tpu.dma_semaphore, #tpu.memory_space<semaphore_mem>>) src(%arg8 : memref<8x128xf32, #tpu.memory_space<vmem>>) dst(%dma_wait3A_22 : memref<8x128xf32, #tpu.memory_space<hbm>>)
        tpu.yield
      }) : () -> ()
      "tpu.region"() ({
        %run_scoped3A = tpu.sem_alloc : memref<!tpu.dma_semaphore, #tpu.memory_space<semaphore_mem>>
        %dma_start3A_15 = arith.constant 0 : i32
        %dma_start3A_16 = tpu.memref_slice %arg6[%mul3A_4, %dma_start3A_15] : memref<128x128xf32, #tpu.memory_space<hbm>> -> memref<8x128xf32, #tpu.memory_space<hbm>>
        %dma_start3A_17 = arith.constant 0 : i32
        %dma_start3A_18 = tpu.memref_slice %arg6[%mul3A_4, %dma_start3A_17] : memref<128x128xf32, #tpu.memory_space<hbm>> -> memref<8x128xf32, #tpu.memory_space<hbm>>
        tpu.enqueue_dma source(%arg9 : memref<8x128xf32, #tpu.memory_space<vmem>>) target(%dma_start3A_18 : memref<8x128xf32, #tpu.memory_space<hbm>>) target_semaphore(%run_scoped3A : memref<!tpu.dma_semaphore, #tpu.memory_space<semaphore_mem>>)
        %dma_wait3A_19 = arith.constant 0 : i32
        %dma_wait3A_20 = tpu.memref_slice %arg6[%mul3A_4, %dma_wait3A_19] : memref<128x128xf32, #tpu.memory_space<hbm>> -> memref<8x128xf32, #tpu.memory_space<hbm>>
        %dma_wait3A_21 = arith.constant 0 : i32
        %dma_wait3A_22 = tpu.memref_slice %arg6[%mul3A_4, %dma_wait3A_21] : memref<128x128xf32, #tpu.memory_space<hbm>> -> memref<8x128xf32, #tpu.memory_space<hbm>>
        tpu.wait_dma2 semaphore(%run_scoped3A : memref<!tpu.dma_semaphore, #tpu.memory_space<semaphore_mem>>) src(%arg9 : memref<8x128xf32, #tpu.memory_space<vmem>>) dst(%dma_wait3A_22 : memref<8x128xf32, #tpu.memory_space<hbm>>)
        tpu.yield
      }) : () -> ()
    } else {
    }
    return
  }
}

module attributes {stable_mosaic.version = 14 : i64} {
  func.func @_table_body(%arg0: memref<1x1024xf32, #tpu.memory_space<vmem>>, %arg1: memref<1024x128xf32, #tpu.memory_space<vmem>>, %arg2: memref<1024x128xf32, #tpu.memory_space<vmem>>) attributes {dimension_semantics = [], scalar_prefetch = 0 : i64, scratch_operands = 0 : i64, tpu.core_type = #tpu.core_type<tc>} {
    %get3A = arith.constant 0 : index
    %get3A_0 = arith.constant 0 : index
    %get3A_1 = vector.load %arg0[%get3A, %get3A_0] : memref<1x1024xf32, #tpu.memory_space<vmem>>, vector<1x1024xf32>
    %get3A_2 = vector.shape_cast %get3A_1 : vector<1x1024xf32> to vector<1024xf32>
    %neg3A = arith.constant 0.000000e+00 : f32
    %neg3A_3 = vector.broadcast %neg3A : f32 to vector<1024xf32>
    %neg3A_4 = arith.subf %neg3A_3, %get3A_2 : vector<1024xf32>
    %log1p3A = math.log1p %neg3A_4 : vector<1024xf32>
    %iota3A = tpu.iota {dimensions = array<i32: 0>} : vector<1024x1024xi32>
    %iota3A_5 = tpu.iota {dimensions = array<i32: 1>} : vector<1024x1024xi32>
    %le3A = arith.cmpi sle, %iota3A_5, %iota3A : vector<1024x1024xi32>
    %broadcast_in_dim3A = vector.shape_cast %log1p3A : vector<1024xf32> to vector<1x1024xf32>
    %jit3A = arith.constant 0.000000e+00 : f32
    %broadcast_in_dim3A_6 = vector.shape_cast %broadcast_in_dim3A : vector<1x1024xf32> to vector<1x1024xf32>
    %broadcast_in_dim3A_7 = vector.broadcast %broadcast_in_dim3A_6 : vector<1x1024xf32> to vector<1024x1024xf32>
    %broadcast_in_dim3A_8 = vector.broadcast %jit3A : f32 to vector<1024x1024xf32>
    %select_n3A = arith.select %le3A, %broadcast_in_dim3A_7, %broadcast_in_dim3A_8 : vector<1024x1024xi1>, vector<1024x1024xf32>
    %reduce_sum3A = arith.constant dense<0.000000e+00> : vector<1024xf32>
    %reduce_sum3A_9 = vector.multi_reduction <add>, %select_n3A, %reduce_sum3A [1] : vector<1024x1024xf32> to vector<1024xf32>
    %broadcast_in_dim3A_10 = vector.shape_cast %reduce_sum3A_9 : vector<1024xf32> to vector<1024x1xf32>
    %exp3A = math.exp %broadcast_in_dim3A_10 : vector<1024x1xf32>
    %sqrt3A = math.sqrt %exp3A : vector<1024x1xf32>
    %broadcast_in_dim3A_11 = vector.shape_cast %sqrt3A : vector<1024x1xf32> to vector<1024x1xf32>
    %broadcast_in_dim3A_12 = vector.broadcast %broadcast_in_dim3A_11 : vector<1024x1xf32> to vector<1024x128xf32>
    %swap3A = arith.constant 0 : index
    %swap3A_13 = arith.constant 0 : index
    %swap3A_14 = vector.load %arg1[%swap3A, %swap3A_13] : memref<1024x128xf32, #tpu.memory_space<vmem>>, vector<1024x128xf32>
    tpu.vector_store %arg1[%swap3A, %swap3A_13], %broadcast_in_dim3A_12 {strides = array<i32>} : memref<1024x128xf32, #tpu.memory_space<vmem>>, vector<1024x128xf32>,
    %sub3A = arith.constant 1.000000e+00 : f32
    %sub3A_15 = vector.broadcast %sub3A : f32 to vector<1024x1xf32>
    %sub3A_16 = arith.subf %sub3A_15, %exp3A : vector<1024x1xf32>
    %sqrt3A_17 = math.sqrt %sub3A_16 : vector<1024x1xf32>
    %broadcast_in_dim3A_18 = vector.shape_cast %sqrt3A_17 : vector<1024x1xf32> to vector<1024x1xf32>
    %broadcast_in_dim3A_19 = vector.broadcast %broadcast_in_dim3A_18 : vector<1024x1xf32> to vector<1024x128xf32>
    %swap3A_20 = arith.constant 0 : index
    %swap3A_21 = arith.constant 0 : index
    %swap3A_22 = vector.load %arg2[%swap3A_20, %swap3A_21] : memref<1024x128xf32, #tpu.memory_space<vmem>>, vector<1024x128xf32>
    tpu.vector_store %arg2[%swap3A_20, %swap3A_21], %broadcast_in_dim3A_19 {strides = array<i32>} : memref<1024x128xf32, #tpu.memory_space<vmem>>, vector<1024x128xf32>,
    return
  }
}

module attributes {stable_mosaic.version = 14 : i64} {
  func.func @_main_body(%arg0: i32, %arg1: memref<128x1xf32, #tpu.memory_space<smem>>, %arg2: memref<128x1xf32, #tpu.memory_space<smem>>, %arg3: memref<1x1176x128xi32, #tpu.memory_space<vmem>>, %arg4: memref<2x1176x128xf32, #tpu.memory_space<vmem>>, %arg5: memref<2x1176x128xf32, #tpu.memory_space<vmem>>, %arg6: memref<2x1176x128xf32, #tpu.memory_space<vmem>>) attributes {dimension_semantics = [#tpu.dimension_semantics<arbitrary>], iteration_bounds = array<i64: 64>, scalar_prefetch = 0 : i64, scratch_operands = 0 : i64, tpu.core_type = #tpu.core_type<tc>, window_params = [{transform_indices = @transform_0, window_bounds = array<i64: 128, 1>}, {transform_indices = @transform_1, window_bounds = array<i64: 128, 1>}, {pipeline_mode = #tpu.pipeline_mode<synchronous>, transform_indices = @transform_2, window_bounds = array<i64: 1, 1176, 128>}, {transform_indices = @transform_3, window_bounds = array<i64: 2, 1176, 128>}, {transform_indices = @transform_4, window_bounds = array<i64: 2, 1176, 128>}, {transform_indices = @transform_5, window_bounds = array<i64: 2, 1176, 128>}]} {
    %mul3A = arith.constant 2 : i32
    %mul3A_0 = arith.muli %arg0, %mul3A : i32
    %add3A = arith.constant 0 : i32
    %add3A_1 = arith.addi %mul3A_0, %add3A : i32
    %mul3A_2 = arith.constant 150528 : i32
    %mul3A_3 = arith.muli %add3A_1, %mul3A_2 : i32
    %get3A = arith.constant 0 : index
    %get3A_4 = arith.constant 0 : index
    %get3A_5 = arith.constant 0 : index
    %get3A_6 = vector.load %arg3[%get3A, %get3A_4, %get3A_5] : memref<1x1176x128xi32, #tpu.memory_space<vmem>>, vector<1x1176x128xi32>
    %get3A_7 = vector.shape_cast %get3A_6 : vector<1x1176x128xi32> to vector<1176x128xi32>
    %add3A_8 = vector.broadcast %mul3A_3 : i32 to vector<1176x128xi32>
    %add3A_9 = arith.addi %get3A_7, %add3A_8 : vector<1176x128xi32>
    %shift_left3A = arith.constant 13 : i32
    %shift_left3A_10 = vector.broadcast %shift_left3A : i32 to vector<1176x128xi32>
    %shift_left3A_11 = arith.shli %add3A_9, %shift_left3A_10 : vector<1176x128xi32>
    %shift_right_logical3A = arith.constant 19 : i32
    %shift_right_logical3A_12 = vector.broadcast %shift_right_logical3A : i32 to vector<1176x128xi32>
    %shift_right_logical3A_13 = arith.shrui %add3A_9, %shift_right_logical3A_12 : vector<1176x128xi32>
    %or3A = arith.ori %shift_left3A_11, %shift_right_logical3A_13 : vector<1176x128xi32>
    %xor3A = arith.xori %or3A, %add3A_9 : vector<1176x128xi32>
    %add3A_14 = arith.addi %add3A_9, %xor3A : vector<1176x128xi32>
    %shift_left3A_15 = arith.constant 15 : i32
    %shift_left3A_16 = vector.broadcast %shift_left3A_15 : i32 to vector<1176x128xi32>
    %shift_left3A_17 = arith.shli %xor3A, %shift_left3A_16 : vector<1176x128xi32>
    %shift_right_logical3A_18 = arith.constant 17 : i32
    %shift_right_logical3A_19 = vector.broadcast %shift_right_logical3A_18 : i32 to vector<1176x128xi32>
    %shift_right_logical3A_20 = arith.shrui %xor3A, %shift_right_logical3A_19 : vector<1176x128xi32>
    %or3A_21 = arith.ori %shift_left3A_17, %shift_right_logical3A_20 : vector<1176x128xi32>
    %xor3A_22 = arith.xori %or3A_21, %add3A_14 : vector<1176x128xi32>
    %add3A_23 = arith.addi %add3A_14, %xor3A_22 : vector<1176x128xi32>
    %shift_left3A_24 = arith.constant 26 : i32
    %shift_left3A_25 = vector.broadcast %shift_left3A_24 : i32 to vector<1176x128xi32>
    %shift_left3A_26 = arith.shli %xor3A_22, %shift_left3A_25 : vector<1176x128xi32>
    %shift_right_logical3A_27 = arith.constant 6 : i32
    %shift_right_logical3A_28 = vector.broadcast %shift_right_logical3A_27 : i32 to vector<1176x128xi32>
    %shift_right_logical3A_29 = arith.shrui %xor3A_22, %shift_right_logical3A_28 : vector<1176x128xi32>
    %or3A_30 = arith.ori %shift_left3A_26, %shift_right_logical3A_29 : vector<1176x128xi32>
    %xor3A_31 = arith.xori %or3A_30, %add3A_23 : vector<1176x128xi32>
    %add3A_32 = arith.addi %add3A_23, %xor3A_31 : vector<1176x128xi32>
    %shift_left3A_33 = arith.constant 6 : i32
    %shift_left3A_34 = vector.broadcast %shift_left3A_33 : i32 to vector<1176x128xi32>
    %shift_left3A_35 = arith.shli %xor3A_31, %shift_left3A_34 : vector<1176x128xi32>
    %shift_right_logical3A_36 = arith.constant 26 : i32
    %shift_right_logical3A_37 = vector.broadcast %shift_right_logical3A_36 : i32 to vector<1176x128xi32>
    %shift_right_logical3A_38 = arith.shrui %xor3A_31, %shift_right_logical3A_37 : vector<1176x128xi32>
    %or3A_39 = arith.ori %shift_left3A_35, %shift_right_logical3A_38 : vector<1176x128xi32>
    %xor3A_40 = arith.xori %or3A_39, %add3A_32 : vector<1176x128xi32>
    %add3A_41 = arith.constant 42 : i32
    %add3A_42 = vector.broadcast %add3A_41 : i32 to vector<1176x128xi32>
    %add3A_43 = arith.addi %add3A_32, %add3A_42 : vector<1176x128xi32>
    %add3A_44 = arith.constant 466689009 : i32
    %add3A_45 = vector.broadcast %add3A_44 : i32 to vector<1176x128xi32>
    %add3A_46 = arith.addi %xor3A_40, %add3A_45 : vector<1176x128xi32>
    %add3A_47 = arith.addi %add3A_43, %add3A_46 : vector<1176x128xi32>
    %shift_left3A_48 = arith.constant 17 : i32
    %shift_left3A_49 = vector.broadcast %shift_left3A_48 : i32 to vector<1176x128xi32>
    %shift_left3A_50 = arith.shli %add3A_46, %shift_left3A_49 : vector<1176x128xi32>
    %shift_right_logical3A_51 = arith.constant 15 : i32
    %shift_right_logical3A_52 = vector.broadcast %shift_right_logical3A_51 : i32 to vector<1176x128xi32>
    %shift_right_logical3A_53 = arith.shrui %add3A_46, %shift_right_logical3A_52 : vector<1176x128xi32>
    %or3A_54 = arith.ori %shift_left3A_50, %shift_right_logical3A_53 : vector<1176x128xi32>
    %xor3A_55 = arith.xori %or3A_54, %add3A_47 : vector<1176x128xi32>
    %add3A_56 = arith.addi %add3A_47, %xor3A_55 : vector<1176x128xi32>
    %shift_left3A_57 = arith.constant 29 : i32
    %shift_left3A_58 = vector.broadcast %shift_left3A_57 : i32 to vector<1176x128xi32>
    %shift_left3A_59 = arith.shli %xor3A_55, %shift_left3A_58 : vector<1176x128xi32>
    %shift_right_logical3A_60 = arith.constant 3 : i32
    %shift_right_logical3A_61 = vector.broadcast %shift_right_logical3A_60 : i32 to vector<1176x128xi32>
    %shift_right_logical3A_62 = arith.shrui %xor3A_55, %shift_right_logical3A_61 : vector<1176x128xi32>
    %or3A_63 = arith.ori %shift_left3A_59, %shift_right_logical3A_62 : vector<1176x128xi32>
    %xor3A_64 = arith.xori %or3A_63, %add3A_56 : vector<1176x128xi32>
    %add3A_65 = arith.addi %add3A_56, %xor3A_64 : vector<1176x128xi32>
    %shift_left3A_66 = arith.constant 16 : i32
    %shift_left3A_67 = vector.broadcast %shift_left3A_66 : i32 to vector<1176x128xi32>
    %shift_left3A_68 = arith.shli %xor3A_64, %shift_left3A_67 : vector<1176x128xi32>
    %shift_right_logical3A_69 = arith.constant 16 : i32
    %shift_right_logical3A_70 = vector.broadcast %shift_right_logical3A_69 : i32 to vector<1176x128xi32>
    %shift_right_logical3A_71 = arith.shrui %xor3A_64, %shift_right_logical3A_70 : vector<1176x128xi32>
    %or3A_72 = arith.ori %shift_left3A_68, %shift_right_logical3A_71 : vector<1176x128xi32>
    %xor3A_73 = arith.xori %or3A_72, %add3A_65 : vector<1176x128xi32>
    %add3A_74 = arith.addi %add3A_65, %xor3A_73 : vector<1176x128xi32>
    %shift_left3A_75 = arith.constant 24 : i32
    %shift_left3A_76 = vector.broadcast %shift_left3A_75 : i32 to vector<1176x128xi32>
    %shift_left3A_77 = arith.shli %xor3A_73, %shift_left3A_76 : vector<1176x128xi32>
    %shift_right_logical3A_78 = arith.constant 8 : i32
    %shift_right_logical3A_79 = vector.broadcast %shift_right_logical3A_78 : i32 to vector<1176x128xi32>
    %shift_right_logical3A_80 = arith.shrui %xor3A_73, %shift_right_logical3A_79 : vector<1176x128xi32>
    %or3A_81 = arith.ori %shift_left3A_77, %shift_right_logical3A_80 : vector<1176x128xi32>
    %xor3A_82 = arith.xori %or3A_81, %add3A_74 : vector<1176x128xi32>
    %add3A_83 = arith.constant 466689008 : i32
    %add3A_84 = vector.broadcast %add3A_83 : i32 to vector<1176x128xi32>
    %add3A_85 = arith.addi %add3A_74, %add3A_84 : vector<1176x128xi32>
    %add3A_86 = arith.constant 2 : i32
    %add3A_87 = vector.broadcast %add3A_86 : i32 to vector<1176x128xi32>
    %add3A_88 = arith.addi %xor3A_82, %add3A_87 : vector<1176x128xi32>
    %add3A_89 = arith.addi %add3A_85, %add3A_88 : vector<1176x128xi32>
    %shift_left3A_90 = arith.constant 13 : i32
    %shift_left3A_91 = vector.broadcast %shift_left3A_90 : i32 to vector<1176x128xi32>
    %shift_left3A_92 = arith.shli %add3A_88, %shift_left3A_91 : vector<1176x128xi32>
    %shift_right_logical3A_93 = arith.constant 19 : i32
    %shift_right_logical3A_94 = vector.broadcast %shift_right_logical3A_93 : i32 to vector<1176x128xi32>
    %shift_right_logical3A_95 = arith.shrui %add3A_88, %shift_right_logical3A_94 : vector<1176x128xi32>
    %or3A_96 = arith.ori %shift_left3A_92, %shift_right_logical3A_95 : vector<1176x128xi32>
    %xor3A_97 = arith.xori %or3A_96, %add3A_89 : vector<1176x128xi32>
    %add3A_98 = arith.addi %add3A_89, %xor3A_97 : vector<1176x128xi32>
    %shift_left3A_99 = arith.constant 15 : i32
    %shift_left3A_100 = vector.broadcast %shift_left3A_99 : i32 to vector<1176x128xi32>
    %shift_left3A_101 = arith.shli %xor3A_97, %shift_left3A_100 : vector<1176x128xi32>
    %shift_right_logical3A_102 = arith.constant 17 : i32
    %shift_right_logical3A_103 = vector.broadcast %shift_right_logical3A_102 : i32 to vector<1176x128xi32>
    %shift_right_logical3A_104 = arith.shrui %xor3A_97, %shift_right_logical3A_103 : vector<1176x128xi32>
    %or3A_105 = arith.ori %shift_left3A_101, %shift_right_logical3A_104 : vector<1176x128xi32>
    %xor3A_106 = arith.xori %or3A_105, %add3A_98 : vector<1176x128xi32>
    %add3A_107 = arith.addi %add3A_98, %xor3A_106 : vector<1176x128xi32>
    %shift_left3A_108 = arith.constant 26 : i32
    %shift_left3A_109 = vector.broadcast %shift_left3A_108 : i32 to vector<1176x128xi32>
    %shift_left3A_110 = arith.shli %xor3A_106, %shift_left3A_109 : vector<1176x128xi32>
    %shift_right_logical3A_111 = arith.constant 6 : i32
    %shift_right_logical3A_112 = vector.broadcast %shift_right_logical3A_111 : i32 to vector<1176x128xi32>
    %shift_right_logical3A_113 = arith.shrui %xor3A_106, %shift_right_logical3A_112 : vector<1176x128xi32>
    %or3A_114 = arith.ori %shift_left3A_110, %shift_right_logical3A_113 : vector<1176x128xi32>
    %xor3A_115 = arith.xori %or3A_114, %add3A_107 : vector<1176x128xi32>
    %add3A_116 = arith.addi %add3A_107, %xor3A_115 : vector<1176x128xi32>
    %shift_left3A_117 = arith.constant 6 : i32
    %shift_left3A_118 = vector.broadcast %shift_left3A_117 : i32 to vector<1176x128xi32>
    %shift_left3A_119 = arith.shli %xor3A_115, %shift_left3A_118 : vector<1176x128xi32>
    %shift_right_logical3A_120 = arith.constant 26 : i32
    %shift_right_logical3A_121 = vector.broadcast %shift_right_logical3A_120 : i32 to vector<1176x128xi32>
    %shift_right_logical3A_122 = arith.shrui %xor3A_115, %shift_right_logical3A_121 : vector<1176x128xi32>
    %or3A_123 = arith.ori %shift_left3A_119, %shift_right_logical3A_122 : vector<1176x128xi32>
    %xor3A_124 = arith.xori %or3A_123, %add3A_116 : vector<1176x128xi32>
    %add3A_125 = arith.constant 45 : i32
    %add3A_126 = vector.broadcast %add3A_125 : i32 to vector<1176x128xi32>
    %add3A_127 = arith.addi %xor3A_124, %add3A_126 : vector<1176x128xi32>
    %add3A_128 = arith.addi %add3A_116, %add3A_127 : vector<1176x128xi32>
    %shift_left3A_129 = arith.constant 17 : i32
    %shift_left3A_130 = vector.broadcast %shift_left3A_129 : i32 to vector<1176x128xi32>
    %shift_left3A_131 = arith.shli %add3A_127, %shift_left3A_130 : vector<1176x128xi32>
    %shift_right_logical3A_132 = arith.constant 15 : i32
    %shift_right_logical3A_133 = vector.broadcast %shift_right_logical3A_132 : i32 to vector<1176x128xi32>
    %shift_right_logical3A_134 = arith.shrui %add3A_127, %shift_right_logical3A_133 : vector<1176x128xi32>
    %or3A_135 = arith.ori %shift_left3A_131, %shift_right_logical3A_134 : vector<1176x128xi32>
    %xor3A_136 = arith.xori %or3A_135, %add3A_128 : vector<1176x128xi32>
    %add3A_137 = arith.addi %add3A_128, %xor3A_136 : vector<1176x128xi32>
    %shift_left3A_138 = arith.constant 29 : i32
    %shift_left3A_139 = vector.broadcast %shift_left3A_138 : i32 to vector<1176x128xi32>
    %shift_left3A_140 = arith.shli %xor3A_136, %shift_left3A_139 : vector<1176x128xi32>
    %shift_right_logical3A_141 = arith.constant 3 : i32
    %shift_right_logical3A_142 = vector.broadcast %shift_right_logical3A_141 : i32 to vector<1176x128xi32>
    %shift_right_logical3A_143 = arith.shrui %xor3A_136, %shift_right_logical3A_142 : vector<1176x128xi32>
    %or3A_144 = arith.ori %shift_left3A_140, %shift_right_logical3A_143 : vector<1176x128xi32>
    %xor3A_145 = arith.xori %or3A_144, %add3A_137 : vector<1176x128xi32>
    %add3A_146 = arith.addi %add3A_137, %xor3A_145 : vector<1176x128xi32>
    %shift_left3A_147 = arith.constant 16 : i32
    %shift_left3A_148 = vector.broadcast %shift_left3A_147 : i32 to vector<1176x128xi32>
    %shift_left3A_149 = arith.shli %xor3A_145, %shift_left3A_148 : vector<1176x128xi32>
    %shift_right_logical3A_150 = arith.constant 16 : i32
    %shift_right_logical3A_151 = vector.broadcast %shift_right_logical3A_150 : i32 to vector<1176x128xi32>
    %shift_right_logical3A_152 = arith.shrui %xor3A_145, %shift_right_logical3A_151 : vector<1176x128xi32>
    %or3A_153 = arith.ori %shift_left3A_149, %shift_right_logical3A_152 : vector<1176x128xi32>
    %xor3A_154 = arith.xori %or3A_153, %add3A_146 : vector<1176x128xi32>
    %add3A_155 = arith.addi %add3A_146, %xor3A_154 : vector<1176x128xi32>
    %shift_left3A_156 = arith.constant 24 : i32
    %shift_left3A_157 = vector.broadcast %shift_left3A_156 : i32 to vector<1176x128xi32>
    %shift_left3A_158 = arith.shli %xor3A_154, %shift_left3A_157 : vector<1176x128xi32>
    %shift_right_logical3A_159 = arith.constant 8 : i32
    %shift_right_logical3A_160 = vector.broadcast %shift_right_logical3A_159 : i32 to vector<1176x128xi32>
    %shift_right_logical3A_161 = arith.shrui %xor3A_154, %shift_right_logical3A_160 : vector<1176x128xi32>
    %or3A_162 = arith.ori %shift_left3A_158, %shift_right_logical3A_161 : vector<1176x128xi32>
    %xor3A_163 = arith.xori %or3A_162, %add3A_155 : vector<1176x128xi32>
    %add3A_164 = arith.constant 42 : i32
    %add3A_165 = vector.broadcast %add3A_164 : i32 to vector<1176x128xi32>
    %add3A_166 = arith.addi %add3A_155, %add3A_165 : vector<1176x128xi32>
    %add3A_167 = arith.constant 466689012 : i32
    %add3A_168 = vector.broadcast %add3A_167 : i32 to vector<1176x128xi32>
    %add3A_169 = arith.addi %xor3A_163, %add3A_168 : vector<1176x128xi32>
    %add3A_170 = arith.addi %add3A_166, %add3A_169 : vector<1176x128xi32>
    %shift_left3A_171 = arith.constant 13 : i32
    %shift_left3A_172 = vector.broadcast %shift_left3A_171 : i32 to vector<1176x128xi32>
    %shift_left3A_173 = arith.shli %add3A_169, %shift_left3A_172 : vector<1176x128xi32>
    %shift_right_logical3A_174 = arith.constant 19 : i32
    %shift_right_logical3A_175 = vector.broadcast %shift_right_logical3A_174 : i32 to vector<1176x128xi32>
    %shift_right_logical3A_176 = arith.shrui %add3A_169, %shift_right_logical3A_175 : vector<1176x128xi32>
    %or3A_177 = arith.ori %shift_left3A_173, %shift_right_logical3A_176 : vector<1176x128xi32>
    %xor3A_178 = arith.xori %or3A_177, %add3A_170 : vector<1176x128xi32>
    %add3A_179 = arith.addi %add3A_170, %xor3A_178 : vector<1176x128xi32>
    %shift_left3A_180 = arith.constant 15 : i32
    %shift_left3A_181 = vector.broadcast %shift_left3A_180 : i32 to vector<1176x128xi32>
    %shift_left3A_182 = arith.shli %xor3A_178, %shift_left3A_181 : vector<1176x128xi32>
    %shift_right_logical3A_183 = arith.constant 17 : i32
    %shift_right_logical3A_184 = vector.broadcast %shift_right_logical3A_183 : i32 to vector<1176x128xi32>
    %shift_right_logical3A_185 = arith.shrui %xor3A_178, %shift_right_logical3A_184 : vector<1176x128xi32>
    %or3A_186 = arith.ori %shift_left3A_182, %shift_right_logical3A_185 : vector<1176x128xi32>
    %xor3A_187 = arith.xori %or3A_186, %add3A_179 : vector<1176x128xi32>
    %add3A_188 = arith.addi %add3A_179, %xor3A_187 : vector<1176x128xi32>
    %shift_left3A_189 = arith.constant 26 : i32
    %shift_left3A_190 = vector.broadcast %shift_left3A_189 : i32 to vector<1176x128xi32>
    %shift_left3A_191 = arith.shli %xor3A_187, %shift_left3A_190 : vector<1176x128xi32>
    %shift_right_logical3A_192 = arith.constant 6 : i32
    %shift_right_logical3A_193 = vector.broadcast %shift_right_logical3A_192 : i32 to vector<1176x128xi32>
    %shift_right_logical3A_194 = arith.shrui %xor3A_187, %shift_right_logical3A_193 : vector<1176x128xi32>
    %or3A_195 = arith.ori %shift_left3A_191, %shift_right_logical3A_194 : vector<1176x128xi32>
    %xor3A_196 = arith.xori %or3A_195, %add3A_188 : vector<1176x128xi32>
    %add3A_197 = arith.addi %add3A_188, %xor3A_196 : vector<1176x128xi32>
    %shift_left3A_198 = arith.constant 6 : i32
    %shift_left3A_199 = vector.broadcast %shift_left3A_198 : i32 to vector<1176x128xi32>
    %shift_left3A_200 = arith.shli %xor3A_196, %shift_left3A_199 : vector<1176x128xi32>
    %shift_right_logical3A_201 = arith.constant 26 : i32
    %shift_right_logical3A_202 = vector.broadcast %shift_right_logical3A_201 : i32 to vector<1176x128xi32>
    %shift_right_logical3A_203 = arith.shrui %xor3A_196, %shift_right_logical3A_202 : vector<1176x128xi32>
    %or3A_204 = arith.ori %shift_left3A_200, %shift_right_logical3A_203 : vector<1176x128xi32>
    %xor3A_205 = arith.xori %or3A_204, %add3A_197 : vector<1176x128xi32>
    %add3A_206 = arith.constant 466689008 : i32
    %add3A_207 = vector.broadcast %add3A_206 : i32 to vector<1176x128xi32>
    %add3A_208 = arith.addi %add3A_197, %add3A_207 : vector<1176x128xi32>
    %add3A_209 = arith.constant -2147483643 : i32
    %add3A_210 = vector.broadcast %add3A_209 : i32 to vector<1176x128xi32>
    %add3A_211 = arith.addi %xor3A_205, %add3A_210 : vector<1176x128xi32>
    %xor3A_212 = arith.xori %add3A_208, %add3A_211 : vector<1176x128xi32>
    %bitcast_convert_type3A = tpu.bitcast %xor3A_212 : vector<1176x128xi32> -> vector<1176x128xi32>
    %convert_element_type3A = arith.sitofp %bitcast_convert_type3A : vector<1176x128xi32> to vector<1176x128xf32>
    %mul3A_213 = arith.constant 4.65661287E-10 : f32
    %mul3A_214 = vector.broadcast %mul3A_213 : f32 to vector<1176x128xf32>
    %mul3A_215 = arith.mulf %convert_element_type3A, %mul3A_214 : vector<1176x128xf32>
    %max3A = arith.constant -0.99999994 : f32
    %max3A_216 = vector.broadcast %max3A : f32 to vector<1176x128xf32>
    %max3A_217 = arith.maximumf %mul3A_215, %max3A_216 : vector<1176x128xf32>
    %min3A = arith.constant 0.99999994 : f32
    %min3A_218 = vector.broadcast %min3A : f32 to vector<1176x128xf32>
    %min3A_219 = arith.minimumf %max3A_217, %min3A_218 : vector<1176x128xf32>
    %mul3A_220 = arith.mulf %min3A_219, %min3A_219 : vector<1176x128xf32>
    %sub3A = arith.constant 1.000000e+00 : f32
    %sub3A_221 = vector.broadcast %sub3A : f32 to vector<1176x128xf32>
    %sub3A_222 = arith.subf %sub3A_221, %mul3A_220 : vector<1176x128xf32>
    %log3A = math.log %sub3A_222 : vector<1176x128xf32>
    %log3A_223 = arith.constant 2.000000e+00 : f32
    %log3A_224 = math.log %log3A_223 : f32
    %div3A = vector.broadcast %log3A_224 : f32 to vector<1176x128xf32>
    %div3A_225 = arith.divf %log3A, %div3A : vector<1176x128xf32>
    %mul3A_226 = arith.constant 2.90092121E-5 : f32
    %mul3A_227 = vector.broadcast %mul3A_226 : f32 to vector<1176x128xf32>
    %mul3A_228 = arith.mulf %mul3A_227, %div3A_225 : vector<1176x128xf32>
    %add3A_229 = arith.constant 9.42292681E-4 : f32
    %add3A_230 = vector.broadcast %add3A_229 : f32 to vector<1176x128xf32>
    %add3A_231 = arith.addf %mul3A_228, %add3A_230 : vector<1176x128xf32>
    %mul3A_232 = arith.mulf %add3A_231, %div3A_225 : vector<1176x128xf32>
    %add3A_233 = arith.constant 0.005711901 : f32
    %add3A_234 = vector.broadcast %add3A_233 : f32 to vector<1176x128xf32>
    %add3A_235 = arith.addf %mul3A_232, %add3A_234 : vector<1176x128xf32>
    %mul3A_236 = arith.mulf %add3A_235, %div3A_225 : vector<1176x128xf32>
    %add3A_237 = arith.constant -0.231666788 : f32
    %add3A_238 = vector.broadcast %add3A_237 : f32 to vector<1176x128xf32>
    %add3A_239 = arith.addf %mul3A_236, %add3A_238 : vector<1176x128xf32>
    %mul3A_240 = arith.mulf %add3A_239, %div3A_225 : vector<1176x128xf32>
    %add3A_241 = arith.constant 1.25159216 : f32
    %add3A_242 = vector.broadcast %add3A_241 : f32 to vector<1176x128xf32>
    %add3A_243 = arith.addf %mul3A_240, %add3A_242 : vector<1176x128xf32>
    %mul3A_244 = arith.mulf %min3A_219, %add3A_243 : vector<1176x128xf32>
    %swap3A = arith.constant 0 : index
    %swap3A_245 = arith.constant 0 : index
    %swap3A_246 = arith.constant 0 : index
    %swap3A_247 = vector.load %arg6[%swap3A, %swap3A_245, %swap3A_246] : memref<2x1176x128xf32, #tpu.memory_space<vmem>>, vector<1x1176x128xf32>
    %swap3A_248 = vector.shape_cast %swap3A_247 : vector<1x1176x128xf32> to vector<1176x128xf32>
    %swap3A_249 = vector.shape_cast %mul3A_244 : vector<1176x128xf32> to vector<1x1176x128xf32>
    tpu.vector_store %arg6[%swap3A, %swap3A_245, %swap3A_246], %swap3A_249 {strides = array<i32>} : memref<2x1176x128xf32, #tpu.memory_space<vmem>>, vector<1x1176x128xf32>,
    %get3A_250 = arith.index_cast %add3A_1 : i32 to index
    %get3A_251 = arith.constant 0 : index
    %get3A_252 = memref.load %arg1[%get3A_250, %get3A_251] : memref<128x1xf32, #tpu.memory_space<smem>>
    %get3A_253 = arith.index_cast %add3A_1 : i32 to index
    %get3A_254 = arith.constant 0 : index
    %get3A_255 = memref.load %arg2[%get3A_253, %get3A_254] : memref<128x1xf32, #tpu.memory_space<smem>>
    %get3A_256 = arith.constant 0 : index
    %get3A_257 = arith.constant 0 : index
    %get3A_258 = arith.constant 0 : index
    %get3A_259 = vector.load %arg4[%get3A_256, %get3A_257, %get3A_258] : memref<2x1176x128xf32, #tpu.memory_space<vmem>>, vector<1x1176x128xf32>
    %get3A_260 = vector.shape_cast %get3A_259 : vector<1x1176x128xf32> to vector<1176x128xf32>
    %mul3A_261 = vector.broadcast %get3A_252 : f32 to vector<1176x128xf32>
    %mul3A_262 = arith.mulf %mul3A_261, %get3A_260 : vector<1176x128xf32>
    %mul3A_263 = vector.broadcast %get3A_255 : f32 to vector<1176x128xf32>
    %mul3A_264 = arith.mulf %mul3A_263, %mul3A_244 : vector<1176x128xf32>
    %add3A_265 = arith.addf %mul3A_262, %mul3A_264 : vector<1176x128xf32>
    %swap3A_266 = arith.constant 0 : index
    %swap3A_267 = arith.constant 0 : index
    %swap3A_268 = arith.constant 0 : index
    %swap3A_269 = vector.load %arg5[%swap3A_266, %swap3A_267, %swap3A_268] : memref<2x1176x128xf32, #tpu.memory_space<vmem>>, vector<1x1176x128xf32>
    %swap3A_270 = vector.shape_cast %swap3A_269 : vector<1x1176x128xf32> to vector<1176x128xf32>
    %swap3A_271 = vector.shape_cast %add3A_265 : vector<1176x128xf32> to vector<1x1176x128xf32>
    tpu.vector_store %arg5[%swap3A_266, %swap3A_267, %swap3A_268], %swap3A_271 {strides = array<i32>} : memref<2x1176x128xf32, #tpu.memory_space<vmem>>, vector<1x1176x128xf32>,
    %mul3A_272 = arith.constant 2 : i32
    %mul3A_273 = arith.muli %arg0, %mul3A_272 : i32
    %add3A_274 = arith.constant 1 : i32
    %add3A_275 = arith.addi %mul3A_273, %add3A_274 : i32
    %mul3A_276 = arith.constant 150528 : i32
    %mul3A_277 = arith.muli %add3A_275, %mul3A_276 : i32
    %get3A_278 = arith.constant 0 : index
    %get3A_279 = arith.constant 0 : index
    %get3A_280 = arith.constant 0 : index
    %get3A_281 = vector.load %arg3[%get3A_278, %get3A_279, %get3A_280] : memref<1x1176x128xi32, #tpu.memory_space<vmem>>, vector<1x1176x128xi32>
    %get3A_282 = vector.shape_cast %get3A_281 : vector<1x1176x128xi32> to vector<1176x128xi32>
    %add3A_283 = vector.broadcast %mul3A_277 : i32 to vector<1176x128xi32>
    %add3A_284 = arith.addi %get3A_282, %add3A_283 : vector<1176x128xi32>
    %shift_left3A_285 = arith.constant 13 : i32
    %shift_left3A_286 = vector.broadcast %shift_left3A_285 : i32 to vector<1176x128xi32>
    %shift_left3A_287 = arith.shli %add3A_284, %shift_left3A_286 : vector<1176x128xi32>
    %shift_right_logical3A_288 = arith.constant 19 : i32
    %shift_right_logical3A_289 = vector.broadcast %shift_right_logical3A_288 : i32 to vector<1176x128xi32>
    %shift_right_logical3A_290 = arith.shrui %add3A_284, %shift_right_logical3A_289 : vector<1176x128xi32>
    %or3A_291 = arith.ori %shift_left3A_287, %shift_right_logical3A_290 : vector<1176x128xi32>
    %xor3A_292 = arith.xori %or3A_291, %add3A_284 : vector<1176x128xi32>
    %add3A_293 = arith.addi %add3A_284, %xor3A_292 : vector<1176x128xi32>
    %shift_left3A_294 = arith.constant 15 : i32
    %shift_left3A_295 = vector.broadcast %shift_left3A_294 : i32 to vector<1176x128xi32>
    %shift_left3A_296 = arith.shli %xor3A_292, %shift_left3A_295 : vector<1176x128xi32>
    %shift_right_logical3A_297 = arith.constant 17 : i32
    %shift_right_logical3A_298 = vector.broadcast %shift_right_logical3A_297 : i32 to vector<1176x128xi32>
    %shift_right_logical3A_299 = arith.shrui %xor3A_292, %shift_right_logical3A_298 : vector<1176x128xi32>
    %or3A_300 = arith.ori %shift_left3A_296, %shift_right_logical3A_299 : vector<1176x128xi32>
    %xor3A_301 = arith.xori %or3A_300, %add3A_293 : vector<1176x128xi32>
    %add3A_302 = arith.addi %add3A_293, %xor3A_301 : vector<1176x128xi32>
    %shift_left3A_303 = arith.constant 26 : i32
    %shift_left3A_304 = vector.broadcast %shift_left3A_303 : i32 to vector<1176x128xi32>
    %shift_left3A_305 = arith.shli %xor3A_301, %shift_left3A_304 : vector<1176x128xi32>
    %shift_right_logical3A_306 = arith.constant 6 : i32
    %shift_right_logical3A_307 = vector.broadcast %shift_right_logical3A_306 : i32 to vector<1176x128xi32>
    %shift_right_logical3A_308 = arith.shrui %xor3A_301, %shift_right_logical3A_307 : vector<1176x128xi32>
    %or3A_309 = arith.ori %shift_left3A_305, %shift_right_logical3A_308 : vector<1176x128xi32>
    %xor3A_310 = arith.xori %or3A_309, %add3A_302 : vector<1176x128xi32>
    %add3A_311 = arith.addi %add3A_302, %xor3A_310 : vector<1176x128xi32>
    %shift_left3A_312 = arith.constant 6 : i32
    %shift_left3A_313 = vector.broadcast %shift_left3A_312 : i32 to vector<1176x128xi32>
    %shift_left3A_314 = arith.shli %xor3A_310, %shift_left3A_313 : vector<1176x128xi32>
    %shift_right_logical3A_315 = arith.constant 26 : i32
    %shift_right_logical3A_316 = vector.broadcast %shift_right_logical3A_315 : i32 to vector<1176x128xi32>
    %shift_right_logical3A_317 = arith.shrui %xor3A_310, %shift_right_logical3A_316 : vector<1176x128xi32>
    %or3A_318 = arith.ori %shift_left3A_314, %shift_right_logical3A_317 : vector<1176x128xi32>
    %xor3A_319 = arith.xori %or3A_318, %add3A_311 : vector<1176x128xi32>
    %add3A_320 = arith.constant 42 : i32
    %add3A_321 = vector.broadcast %add3A_320 : i32 to vector<1176x128xi32>
    %add3A_322 = arith.addi %add3A_311, %add3A_321 : vector<1176x128xi32>
    %add3A_323 = arith.constant 466689009 : i32
    %add3A_324 = vector.broadcast %add3A_323 : i32 to vector<1176x128xi32>
    %add3A_325 = arith.addi %xor3A_319, %add3A_324 : vector<1176x128xi32>
    %add3A_326 = arith.addi %add3A_322, %add3A_325 : vector<1176x128xi32>
    %shift_left3A_327 = arith.constant 17 : i32
    %shift_left3A_328 = vector.broadcast %shift_left3A_327 : i32 to vector<1176x128xi32>
    %shift_left3A_329 = arith.shli %add3A_325, %shift_left3A_328 : vector<1176x128xi32>
    %shift_right_logical3A_330 = arith.constant 15 : i32
    %shift_right_logical3A_331 = vector.broadcast %shift_right_logical3A_330 : i32 to vector<1176x128xi32>
    %shift_right_logical3A_332 = arith.shrui %add3A_325, %shift_right_logical3A_331 : vector<1176x128xi32>
    %or3A_333 = arith.ori %shift_left3A_329, %shift_right_logical3A_332 : vector<1176x128xi32>
    %xor3A_334 = arith.xori %or3A_333, %add3A_326 : vector<1176x128xi32>
    %add3A_335 = arith.addi %add3A_326, %xor3A_334 : vector<1176x128xi32>
    %shift_left3A_336 = arith.constant 29 : i32
    %shift_left3A_337 = vector.broadcast %shift_left3A_336 : i32 to vector<1176x128xi32>
    %shift_left3A_338 = arith.shli %xor3A_334, %shift_left3A_337 : vector<1176x128xi32>
    %shift_right_logical3A_339 = arith.constant 3 : i32
    %shift_right_logical3A_340 = vector.broadcast %shift_right_logical3A_339 : i32 to vector<1176x128xi32>
    %shift_right_logical3A_341 = arith.shrui %xor3A_334, %shift_right_logical3A_340 : vector<1176x128xi32>
    %or3A_342 = arith.ori %shift_left3A_338, %shift_right_logical3A_341 : vector<1176x128xi32>
    %xor3A_343 = arith.xori %or3A_342, %add3A_335 : vector<1176x128xi32>
    %add3A_344 = arith.addi %add3A_335, %xor3A_343 : vector<1176x128xi32>
    %shift_left3A_345 = arith.constant 16 : i32
    %shift_left3A_346 = vector.broadcast %shift_left3A_345 : i32 to vector<1176x128xi32>
    %shift_left3A_347 = arith.shli %xor3A_343, %shift_left3A_346 : vector<1176x128xi32>
    %shift_right_logical3A_348 = arith.constant 16 : i32
    %shift_right_logical3A_349 = vector.broadcast %shift_right_logical3A_348 : i32 to vector<1176x128xi32>
    %shift_right_logical3A_350 = arith.shrui %xor3A_343, %shift_right_logical3A_349 : vector<1176x128xi32>
    %or3A_351 = arith.ori %shift_left3A_347, %shift_right_logical3A_350 : vector<1176x128xi32>
    %xor3A_352 = arith.xori %or3A_351, %add3A_344 : vector<1176x128xi32>
    %add3A_353 = arith.addi %add3A_344, %xor3A_352 : vector<1176x128xi32>
    %shift_left3A_354 = arith.constant 24 : i32
    %shift_left3A_355 = vector.broadcast %shift_left3A_354 : i32 to vector<1176x128xi32>
    %shift_left3A_356 = arith.shli %xor3A_352, %shift_left3A_355 : vector<1176x128xi32>
    %shift_right_logical3A_357 = arith.constant 8 : i32
    %shift_right_logical3A_358 = vector.broadcast %shift_right_logical3A_357 : i32 to vector<1176x128xi32>
    %shift_right_logical3A_359 = arith.shrui %xor3A_352, %shift_right_logical3A_358 : vector<1176x128xi32>
    %or3A_360 = arith.ori %shift_left3A_356, %shift_right_logical3A_359 : vector<1176x128xi32>
    %xor3A_361 = arith.xori %or3A_360, %add3A_353 : vector<1176x128xi32>
    %add3A_362 = arith.constant 466689008 : i32
    %add3A_363 = vector.broadcast %add3A_362 : i32 to vector<1176x128xi32>
    %add3A_364 = arith.addi %add3A_353, %add3A_363 : vector<1176x128xi32>
    %add3A_365 = arith.constant 2 : i32
    %add3A_366 = vector.broadcast %add3A_365 : i32 to vector<1176x128xi32>
    %add3A_367 = arith.addi %xor3A_361, %add3A_366 : vector<1176x128xi32>
    %add3A_368 = arith.addi %add3A_364, %add3A_367 : vector<1176x128xi32>
    %shift_left3A_369 = arith.constant 13 : i32
    %shift_left3A_370 = vector.broadcast %shift_left3A_369 : i32 to vector<1176x128xi32>
    %shift_left3A_371 = arith.shli %add3A_367, %shift_left3A_370 : vector<1176x128xi32>
    %shift_right_logical3A_372 = arith.constant 19 : i32
    %shift_right_logical3A_373 = vector.broadcast %shift_right_logical3A_372 : i32 to vector<1176x128xi32>
    %shift_right_logical3A_374 = arith.shrui %add3A_367, %shift_right_logical3A_373 : vector<1176x128xi32>
    %or3A_375 = arith.ori %shift_left3A_371, %shift_right_logical3A_374 : vector<1176x128xi32>
    %xor3A_376 = arith.xori %or3A_375, %add3A_368 : vector<1176x128xi32>
    %add3A_377 = arith.addi %add3A_368, %xor3A_376 : vector<1176x128xi32>
    %shift_left3A_378 = arith.constant 15 : i32
    %shift_left3A_379 = vector.broadcast %shift_left3A_378 : i32 to vector<1176x128xi32>
    %shift_left3A_380 = arith.shli %xor3A_376, %shift_left3A_379 : vector<1176x128xi32>
    %shift_right_logical3A_381 = arith.constant 17 : i32
    %shift_right_logical3A_382 = vector.broadcast %shift_right_logical3A_381 : i32 to vector<1176x128xi32>
    %shift_right_logical3A_383 = arith.shrui %xor3A_376, %shift_right_logical3A_382 : vector<1176x128xi32>
    %or3A_384 = arith.ori %shift_left3A_380, %shift_right_logical3A_383 : vector<1176x128xi32>
    %xor3A_385 = arith.xori %or3A_384, %add3A_377 : vector<1176x128xi32>
    %add3A_386 = arith.addi %add3A_377, %xor3A_385 : vector<1176x128xi32>
    %shift_left3A_387 = arith.constant 26 : i32
    %shift_left3A_388 = vector.broadcast %shift_left3A_387 : i32 to vector<1176x128xi32>
    %shift_left3A_389 = arith.shli %xor3A_385, %shift_left3A_388 : vector<1176x128xi32>
    %shift_right_logical3A_390 = arith.constant 6 : i32
    %shift_right_logical3A_391 = vector.broadcast %shift_right_logical3A_390 : i32 to vector<1176x128xi32>
    %shift_right_logical3A_392 = arith.shrui %xor3A_385, %shift_right_logical3A_391 : vector<1176x128xi32>
    %or3A_393 = arith.ori %shift_left3A_389, %shift_right_logical3A_392 : vector<1176x128xi32>
    %xor3A_394 = arith.xori %or3A_393, %add3A_386 : vector<1176x128xi32>
    %add3A_395 = arith.addi %add3A_386, %xor3A_394 : vector<1176x128xi32>
    %shift_left3A_396 = arith.constant 6 : i32
    %shift_left3A_397 = vector.broadcast %shift_left3A_396 : i32 to vector<1176x128xi32>
    %shift_left3A_398 = arith.shli %xor3A_394, %shift_left3A_397 : vector<1176x128xi32>
    %shift_right_logical3A_399 = arith.constant 26 : i32
    %shift_right_logical3A_400 = vector.broadcast %shift_right_logical3A_399 : i32 to vector<1176x128xi32>
    %shift_right_logical3A_401 = arith.shrui %xor3A_394, %shift_right_logical3A_400 : vector<1176x128xi32>
    %or3A_402 = arith.ori %shift_left3A_398, %shift_right_logical3A_401 : vector<1176x128xi32>
    %xor3A_403 = arith.xori %or3A_402, %add3A_395 : vector<1176x128xi32>
    %add3A_404 = arith.constant 45 : i32
    %add3A_405 = vector.broadcast %add3A_404 : i32 to vector<1176x128xi32>
    %add3A_406 = arith.addi %xor3A_403, %add3A_405 : vector<1176x128xi32>
    %add3A_407 = arith.addi %add3A_395, %add3A_406 : vector<1176x128xi32>
    %shift_left3A_408 = arith.constant 17 : i32
    %shift_left3A_409 = vector.broadcast %shift_left3A_408 : i32 to vector<1176x128xi32>
    %shift_left3A_410 = arith.shli %add3A_406, %shift_left3A_409 : vector<1176x128xi32>
    %shift_right_logical3A_411 = arith.constant 15 : i32
    %shift_right_logical3A_412 = vector.broadcast %shift_right_logical3A_411 : i32 to vector<1176x128xi32>
    %shift_right_logical3A_413 = arith.shrui %add3A_406, %shift_right_logical3A_412 : vector<1176x128xi32>
    %or3A_414 = arith.ori %shift_left3A_410, %shift_right_logical3A_413 : vector<1176x128xi32>
    %xor3A_415 = arith.xori %or3A_414, %add3A_407 : vector<1176x128xi32>
    %add3A_416 = arith.addi %add3A_407, %xor3A_415 : vector<1176x128xi32>
    %shift_left3A_417 = arith.constant 29 : i32
    %shift_left3A_418 = vector.broadcast %shift_left3A_417 : i32 to vector<1176x128xi32>
    %shift_left3A_419 = arith.shli %xor3A_415, %shift_left3A_418 : vector<1176x128xi32>
    %shift_right_logical3A_420 = arith.constant 3 : i32
    %shift_right_logical3A_421 = vector.broadcast %shift_right_logical3A_420 : i32 to vector<1176x128xi32>
    %shift_right_logical3A_422 = arith.shrui %xor3A_415, %shift_right_logical3A_421 : vector<1176x128xi32>
    %or3A_423 = arith.ori %shift_left3A_419, %shift_right_logical3A_422 : vector<1176x128xi32>
    %xor3A_424 = arith.xori %or3A_423, %add3A_416 : vector<1176x128xi32>
    %add3A_425 = arith.addi %add3A_416, %xor3A_424 : vector<1176x128xi32>
    %shift_left3A_426 = arith.constant 16 : i32
    %shift_left3A_427 = vector.broadcast %shift_left3A_426 : i32 to vector<1176x128xi32>
    %shift_left3A_428 = arith.shli %xor3A_424, %shift_left3A_427 : vector<1176x128xi32>
    %shift_right_logical3A_429 = arith.constant 16 : i32
    %shift_right_logical3A_430 = vector.broadcast %shift_right_logical3A_429 : i32 to vector<1176x128xi32>
    %shift_right_logical3A_431 = arith.shrui %xor3A_424, %shift_right_logical3A_430 : vector<1176x128xi32>
    %or3A_432 = arith.ori %shift_left3A_428, %shift_right_logical3A_431 : vector<1176x128xi32>
    %xor3A_433 = arith.xori %or3A_432, %add3A_425 : vector<1176x128xi32>
    %add3A_434 = arith.addi %add3A_425, %xor3A_433 : vector<1176x128xi32>
    %shift_left3A_435 = arith.constant 24 : i32
    %shift_left3A_436 = vector.broadcast %shift_left3A_435 : i32 to vector<1176x128xi32>
    %shift_left3A_437 = arith.shli %xor3A_433, %shift_left3A_436 : vector<1176x128xi32>
    %shift_right_logical3A_438 = arith.constant 8 : i32
    %shift_right_logical3A_439 = vector.broadcast %shift_right_logical3A_438 : i32 to vector<1176x128xi32>
    %shift_right_logical3A_440 = arith.shrui %xor3A_433, %shift_right_logical3A_439 : vector<1176x128xi32>
    %or3A_441 = arith.ori %shift_left3A_437, %shift_right_logical3A_440 : vector<1176x128xi32>
    %xor3A_442 = arith.xori %or3A_441, %add3A_434 : vector<1176x128xi32>
    %add3A_443 = arith.constant 42 : i32
    %add3A_444 = vector.broadcast %add3A_443 : i32 to vector<1176x128xi32>
    %add3A_445 = arith.addi %add3A_434, %add3A_444 : vector<1176x128xi32>
    %add3A_446 = arith.constant 466689012 : i32
    %add3A_447 = vector.broadcast %add3A_446 : i32 to vector<1176x128xi32>
    %add3A_448 = arith.addi %xor3A_442, %add3A_447 : vector<1176x128xi32>
    %add3A_449 = arith.addi %add3A_445, %add3A_448 : vector<1176x128xi32>
    %shift_left3A_450 = arith.constant 13 : i32
    %shift_left3A_451 = vector.broadcast %shift_left3A_450 : i32 to vector<1176x128xi32>
    %shift_left3A_452 = arith.shli %add3A_448, %shift_left3A_451 : vector<1176x128xi32>
    %shift_right_logical3A_453 = arith.constant 19 : i32
    %shift_right_logical3A_454 = vector.broadcast %shift_right_logical3A_453 : i32 to vector<1176x128xi32>
    %shift_right_logical3A_455 = arith.shrui %add3A_448, %shift_right_logical3A_454 : vector<1176x128xi32>
    %or3A_456 = arith.ori %shift_left3A_452, %shift_right_logical3A_455 : vector<1176x128xi32>
    %xor3A_457 = arith.xori %or3A_456, %add3A_449 : vector<1176x128xi32>
    %add3A_458 = arith.addi %add3A_449, %xor3A_457 : vector<1176x128xi32>
    %shift_left3A_459 = arith.constant 15 : i32
    %shift_left3A_460 = vector.broadcast %shift_left3A_459 : i32 to vector<1176x128xi32>
    %shift_left3A_461 = arith.shli %xor3A_457, %shift_left3A_460 : vector<1176x128xi32>
    %shift_right_logical3A_462 = arith.constant 17 : i32
    %shift_right_logical3A_463 = vector.broadcast %shift_right_logical3A_462 : i32 to vector<1176x128xi32>
    %shift_right_logical3A_464 = arith.shrui %xor3A_457, %shift_right_logical3A_463 : vector<1176x128xi32>
    %or3A_465 = arith.ori %shift_left3A_461, %shift_right_logical3A_464 : vector<1176x128xi32>
    %xor3A_466 = arith.xori %or3A_465, %add3A_458 : vector<1176x128xi32>
    %add3A_467 = arith.addi %add3A_458, %xor3A_466 : vector<1176x128xi32>
    %shift_left3A_468 = arith.constant 26 : i32
    %shift_left3A_469 = vector.broadcast %shift_left3A_468 : i32 to vector<1176x128xi32>
    %shift_left3A_470 = arith.shli %xor3A_466, %shift_left3A_469 : vector<1176x128xi32>
    %shift_right_logical3A_471 = arith.constant 6 : i32
    %shift_right_logical3A_472 = vector.broadcast %shift_right_logical3A_471 : i32 to vector<1176x128xi32>
    %shift_right_logical3A_473 = arith.shrui %xor3A_466, %shift_right_logical3A_472 : vector<1176x128xi32>
    %or3A_474 = arith.ori %shift_left3A_470, %shift_right_logical3A_473 : vector<1176x128xi32>
    %xor3A_475 = arith.xori %or3A_474, %add3A_467 : vector<1176x128xi32>
    %add3A_476 = arith.addi %add3A_467, %xor3A_475 : vector<1176x128xi32>
    %shift_left3A_477 = arith.constant 6 : i32
    %shift_left3A_478 = vector.broadcast %shift_left3A_477 : i32 to vector<1176x128xi32>
    %shift_left3A_479 = arith.shli %xor3A_475, %shift_left3A_478 : vector<1176x128xi32>
    %shift_right_logical3A_480 = arith.constant 26 : i32
    %shift_right_logical3A_481 = vector.broadcast %shift_right_logical3A_480 : i32 to vector<1176x128xi32>
    %shift_right_logical3A_482 = arith.shrui %xor3A_475, %shift_right_logical3A_481 : vector<1176x128xi32>
    %or3A_483 = arith.ori %shift_left3A_479, %shift_right_logical3A_482 : vector<1176x128xi32>
    %xor3A_484 = arith.xori %or3A_483, %add3A_476 : vector<1176x128xi32>
    %add3A_485 = arith.constant 466689008 : i32
    %add3A_486 = vector.broadcast %add3A_485 : i32 to vector<1176x128xi32>
    %add3A_487 = arith.addi %add3A_476, %add3A_486 : vector<1176x128xi32>
    %add3A_488 = arith.constant -2147483643 : i32
    %add3A_489 = vector.broadcast %add3A_488 : i32 to vector<1176x128xi32>
    %add3A_490 = arith.addi %xor3A_484, %add3A_489 : vector<1176x128xi32>
    %xor3A_491 = arith.xori %add3A_487, %add3A_490 : vector<1176x128xi32>
    %bitcast_convert_type3A_492 = tpu.bitcast %xor3A_491 : vector<1176x128xi32> -> vector<1176x128xi32>
    %convert_element_type3A_493 = arith.sitofp %bitcast_convert_type3A_492 : vector<1176x128xi32> to vector<1176x128xf32>
    %mul3A_494 = arith.constant 4.65661287E-10 : f32
    %mul3A_495 = vector.broadcast %mul3A_494 : f32 to vector<1176x128xf32>
    %mul3A_496 = arith.mulf %convert_element_type3A_493, %mul3A_495 : vector<1176x128xf32>
    %max3A_497 = arith.constant -0.99999994 : f32
    %max3A_498 = vector.broadcast %max3A_497 : f32 to vector<1176x128xf32>
    %max3A_499 = arith.maximumf %mul3A_496, %max3A_498 : vector<1176x128xf32>
    %min3A_500 = arith.constant 0.99999994 : f32
    %min3A_501 = vector.broadcast %min3A_500 : f32 to vector<1176x128xf32>
    %min3A_502 = arith.minimumf %max3A_499, %min3A_501 : vector<1176x128xf32>
    %mul3A_503 = arith.mulf %min3A_502, %min3A_502 : vector<1176x128xf32>
    %sub3A_504 = arith.constant 1.000000e+00 : f32
    %sub3A_505 = vector.broadcast %sub3A_504 : f32 to vector<1176x128xf32>
    %sub3A_506 = arith.subf %sub3A_505, %mul3A_503 : vector<1176x128xf32>
    %log3A_507 = math.log %sub3A_506 : vector<1176x128xf32>
    %log3A_508 = arith.constant 2.000000e+00 : f32
    %log3A_509 = math.log %log3A_508 : f32
    %div3A_510 = vector.broadcast %log3A_509 : f32 to vector<1176x128xf32>
    %div3A_511 = arith.divf %log3A_507, %div3A_510 : vector<1176x128xf32>
    %mul3A_512 = arith.constant 2.90092121E-5 : f32
    %mul3A_513 = vector.broadcast %mul3A_512 : f32 to vector<1176x128xf32>
    %mul3A_514 = arith.mulf %mul3A_513, %div3A_511 : vector<1176x128xf32>
    %add3A_515 = arith.constant 9.42292681E-4 : f32
    %add3A_516 = vector.broadcast %add3A_515 : f32 to vector<1176x128xf32>
    %add3A_517 = arith.addf %mul3A_514, %add3A_516 : vector<1176x128xf32>
    %mul3A_518 = arith.mulf %add3A_517, %div3A_511 : vector<1176x128xf32>
    %add3A_519 = arith.constant 0.005711901 : f32
    %add3A_520 = vector.broadcast %add3A_519 : f32 to vector<1176x128xf32>
    %add3A_521 = arith.addf %mul3A_518, %add3A_520 : vector<1176x128xf32>
    %mul3A_522 = arith.mulf %add3A_521, %div3A_511 : vector<1176x128xf32>
    %add3A_523 = arith.constant -0.231666788 : f32
    %add3A_524 = vector.broadcast %add3A_523 : f32 to vector<1176x128xf32>
    %add3A_525 = arith.addf %mul3A_522, %add3A_524 : vector<1176x128xf32>
    %mul3A_526 = arith.mulf %add3A_525, %div3A_511 : vector<1176x128xf32>
    %add3A_527 = arith.constant 1.25159216 : f32
    %add3A_528 = vector.broadcast %add3A_527 : f32 to vector<1176x128xf32>
    %add3A_529 = arith.addf %mul3A_526, %add3A_528 : vector<1176x128xf32>
    %mul3A_530 = arith.mulf %min3A_502, %add3A_529 : vector<1176x128xf32>
    %swap3A_531 = arith.constant 1 : index
    %swap3A_532 = arith.constant 0 : index
    %swap3A_533 = arith.constant 0 : index
    %swap3A_534 = vector.load %arg6[%swap3A_531, %swap3A_532, %swap3A_533] : memref<2x1176x128xf32, #tpu.memory_space<vmem>>, vector<1x1176x128xf32>
    %swap3A_535 = vector.shape_cast %swap3A_534 : vector<1x1176x128xf32> to vector<1176x128xf32>
    %swap3A_536 = vector.shape_cast %mul3A_530 : vector<1176x128xf32> to vector<1x1176x128xf32>
    tpu.vector_store %arg6[%swap3A_531, %swap3A_532, %swap3A_533], %swap3A_536 {strides = array<i32>} : memref<2x1176x128xf32, #tpu.memory_space<vmem>>, vector<1x1176x128xf32>,
    %get3A_537 = arith.index_cast %add3A_275 : i32 to index
    %get3A_538 = arith.constant 0 : index
    %get3A_539 = memref.load %arg1[%get3A_537, %get3A_538] : memref<128x1xf32, #tpu.memory_space<smem>>
    %get3A_540 = arith.index_cast %add3A_275 : i32 to index
    %get3A_541 = arith.constant 0 : index
    %get3A_542 = memref.load %arg2[%get3A_540, %get3A_541] : memref<128x1xf32, #tpu.memory_space<smem>>
    %get3A_543 = arith.constant 1 : index
    %get3A_544 = arith.constant 0 : index
    %get3A_545 = arith.constant 0 : index
    %get3A_546 = vector.load %arg4[%get3A_543, %get3A_544, %get3A_545] : memref<2x1176x128xf32, #tpu.memory_space<vmem>>, vector<1x1176x128xf32>
    %get3A_547 = vector.shape_cast %get3A_546 : vector<1x1176x128xf32> to vector<1176x128xf32>
    %mul3A_548 = vector.broadcast %get3A_539 : f32 to vector<1176x128xf32>
    %mul3A_549 = arith.mulf %mul3A_548, %get3A_547 : vector<1176x128xf32>
    %mul3A_550 = vector.broadcast %get3A_542 : f32 to vector<1176x128xf32>
    %mul3A_551 = arith.mulf %mul3A_550, %mul3A_530 : vector<1176x128xf32>
    %add3A_552 = arith.addf %mul3A_549, %mul3A_551 : vector<1176x128xf32>
    %swap3A_553 = arith.constant 1 : index
    %swap3A_554 = arith.constant 0 : index
    %swap3A_555 = arith.constant 0 : index
    %swap3A_556 = vector.load %arg5[%swap3A_553, %swap3A_554, %swap3A_555] : memref<2x1176x128xf32, #tpu.memory_space<vmem>>, vector<1x1176x128xf32>
    %swap3A_557 = vector.shape_cast %swap3A_556 : vector<1x1176x128xf32> to vector<1176x128xf32>
    %swap3A_558 = vector.shape_cast %add3A_552 : vector<1176x128xf32> to vector<1x1176x128xf32>
    tpu.vector_store %arg5[%swap3A_553, %swap3A_554, %swap3A_555], %swap3A_558 {strides = array<i32>} : memref<2x1176x128xf32, #tpu.memory_space<vmem>>, vector<1x1176x128xf32>,
    return
  }
  func.func @transform_0(%arg0: i32) -> (i32, i32) {
    %c0_i32 = arith.constant 0 : i32
    %c0_i32_0 = arith.constant 0 : i32
    %c0_i32_1 = arith.constant 0 : i32
    return %c0_i32, %c0_i32_0 : i32, i32
  }
  func.func @transform_1(%arg0: i32) -> (i32, i32) {
    %c0_i32 = arith.constant 0 : i32
    %c0_i32_0 = arith.constant 0 : i32
    %c0_i32_1 = arith.constant 0 : i32
    return %c0_i32, %c0_i32_0 : i32, i32
  }
  func.func @transform_2(%arg0: i32) -> (i32, i32, i32) {
    %c0_i32 = arith.constant 0 : i32
    %c0_i32_0 = arith.constant 0 : i32
    %c0_i32_1 = arith.constant 0 : i32
    %c0_i32_2 = arith.constant 0 : i32
    return %c0_i32, %c0_i32_0, %c0_i32_1 : i32, i32, i32
  }
  func.func @transform_3(%arg0: i32) -> (i32, i32, i32) {
    %c0_i32 = arith.constant 0 : i32
    %c0_i32_0 = arith.constant 0 : i32
    %c0_i32_1 = arith.constant 0 : i32
    return %arg0, %c0_i32, %c0_i32_0 : i32, i32, i32
  }
  func.func @transform_4(%arg0: i32) -> (i32, i32, i32) {
    %c0_i32 = arith.constant 0 : i32
    %c0_i32_0 = arith.constant 0 : i32
    %c0_i32_1 = arith.constant 0 : i32
    return %arg0, %c0_i32, %c0_i32_0 : i32, i32, i32
  }
  func.func @transform_5(%arg0: i32) -> (i32, i32, i32) {
    %c0_i32 = arith.constant 0 : i32
    %c0_i32_0 = arith.constant 0 : i32
    %c0_i32_1 = arith.constant 0 : i32
    return %arg0, %c0_i32, %c0_i32_0 : i32, i32, i32
  }
}

</mosaic_0001>

<sc_bundles>
// kernel: kernel.5.cloned.1.call-start
scs
__scs_entry_jumppad:
0x0: {  	(pc) =	sbr.rel $0x88, $3  }
0x1: {  	(tag) =	ssettag $0x0;
	lr =	simm.s32 $0x1  }
0x2: {  	[smem:$0x3F9E] =	sst lr;
	_ =	strace $0xD0000000  }
0x3: {  	_ = 	snop  }
0x4: {  	_ = 	snop  }
0x5: {  	_ = 	snop  }
0x6: {  	_ = 	snop  }
0x7: {  	_ = 	snop  }
__scs_overlays_trampoline_lowered:
0x8: {  	[smem:$0x3FAD] =	sst s0  }
0x9: {  	[smem:$0x3FAE] =	sst s1  }
0xa: {  	[smem:$0x3FAF] =	sst s2  }
0xb: {  	[smem:$0x3FB0] =	sst s3  }
0xc: {  	[smem:$0x3FB1] =	sst s4  }
0xd: {  	[smem:$0x3FB2] =	sst s5  }
0xe: {  	[smem:$0x3FB3] =	sst s6  }
0xf: {  	[smem:$0x3FB4] =	sst s7  }
0x10: {  	[smem:$0x3FB5] =	sst s8  }
0x11: {  	[smem:$0x3FB6] =	sst s9;
	s0 =	simm.s32 @!p0 $0x0  }
0x12: {  	s1 =	sld [smem:$0x3F9C];
	s0 =	simm.s32 @p0 $0x1  }
0x13: {  	[smem:$0x3FB7] =	sst s0;
	s0 =	simm.s32 @!p1 $0x0  }
0x14: {  	s2 =	sld [smem:$0x3F9B];
	s0 =	simm.s32 @p1 $0x1  }
0x15: {  	[smem:$0x3FB8] =	sst s0;
	s0 =	simm.s32 @!p2 $0x0  }
0x16: {  	s3 =	sld [smem:$0x3FDB];
	s0 =	simm.s32 @p2 $0x1  }
0x17: {  	s4 =	simm.s32 $0x1BF5;
	[smem:$0x3FBA] =	sst s0  }
0x18: {  	s0 =	sld [smem:$0x3F9D];
	_ =	swait.ge [sflag:s4], $0x0  }
0x19: {  	s7 =	sld [smem:$0x3F9E]  }
0x1a: {  	s8 =	sadd.s32 $0xFFFFE003, lr  }
0x1b: {  	s9 =	sadd.s32 $0xFFFFFEF7, lr;
	s5 =	simm.s32 $0xFFFFFFFF;
	p2 =	slt.u32 s8, $0xFFFFF086  }
0x1c: {  	p1 =	slt.u32 s9, $0xF7A;
	s5 =	simm.s32 @!p2 $0x0  }
0x1d: {  	s5 =	simm.s32 @p1 $0x1;
	p0 =	seq.s32 s7, s2  }
0x1e: {  	s7 =	smul.u32 @!p0 $0xF7A, s2;
	p2 =	seq.s32 @!p0 s5, $0x0  }
0x1f: {  	s9 =	smul.u32 $0xF7A, s1;
	s8 =	simm.s32 @!p0 $0x1BF5;
	p2 =	por !p2, p0  }
0x20: {  	[sflag:s8] =	ssyncset.s32 @!p0 $0xFFFFF086;
	s6 =	sadd.s32 @!p0 s3, s7;
	s7 =	simm.s32 @!p0 $0x108  }
0x21: {  	s3 =	sadd.s32 s3, s9;
	s6 =	sadd.s32 @!p0 $0x88, s6;
	s7 =	simm.s32 @p2 $0x1082  }
0x22: {  	[simem:s7], [sflag:s8] =	dma.local @!p0 [hbm:s6], $0xF7A  }
0x23: {  	s9 =	sor.u32 $0xD0000000, s2;
	s6 =	simm.s32 $0x108;
	_ =	swait.ge @!p0 [sflag:s8], $0x0  }
0x24: {  	s3 =	sadd.s32 $0x88, s3;
	s6 =	simm.s32 @!p1 $0x1082;
	[sflag:s4] =	ssyncset.s32 $0xFFFFF086  }
0x25: {  	[simem:s6], [sflag:s4] =	dma.local [hbm:s3], $0xF7A  }
0x26: {  	[smem:$0x3F9E] =	sst s1;
	(tag) =	ssettag s2;
	_ =	strace s9  }
0x27: {  	s1 =	sld [smem:$0x3FAE]  }
0x28: {  	s2 =	sld [smem:$0x3FAF]  }
0x29: {  	s4 =	sld [smem:$0x3FB1]  }
0x2a: {  	p0 =	seq.s32 s5, $0x0;
	s5 =	sld [smem:$0x3FB2]  }
0x2b: {  	s6 =	sld [smem:$0x3FB3]  }
0x2c: {  	s7 =	sld [smem:$0x3FB4]  }
0x2d: {  	s3 =	simm.s32 $0x108;
	s8 =	sld [smem:$0x3FB5]  }
0x2e: {  	s3 =	simm.s32 @!p0 $0x1082;
	s9 =	sld [smem:$0x3FB6]  }
0x2f: {  	lr =	sadd.s32 s0, s3;
	s0 =	sld [smem:$0x3FAD]  }
0x30: {  	s3 =	sld [smem:$0x3FB0]  }
0x31: {  	[smem:$0x3FB9] =	sst s10  }
0x32: {  	s10 =	sld [smem:$0x3FB7];
	_ =	sdelay $0x3  }
0x33: {  	p0 =	seq.s32 s10, $0x1;
	s10 =	sld [smem:$0x3FB9];
	_ =	sdelay $0x3  }
0x34: {  	[smem:$0x3FB9] =	sst s10  }
0x35: {  	s10 =	sld [smem:$0x3FB8];
	_ =	sdelay $0x3  }
0x36: {  	p1 =	seq.s32 s10, $0x1;
	s10 =	sld [smem:$0x3FB9];
	_ =	sdelay $0x3  }
0x37: {  	[smem:$0x3FB9] =	sst s10  }
0x38: {  	s10 =	sld [smem:$0x3FBA]  }
0x39: {  	_ = 	snop;
	(pc) =	sbr.ind lr, $3  }
0x3a: {  	_ = 	snop  }
0x3b: {  	_ = 	snop  }
0x3c: {  	p2 =	seq.s32 s10, $0x1;
	s10 =	sld [smem:$0x3FB9]  }
0x3d: {  	_ =	shalt  }
0x3e: {  	_ =	shalt  }
0x3f: {  	_ =	shalt  }
0x40: {  	_ =	shalt  }
0x41: {  	_ =	shalt  }
0x42: {  	_ =	shalt  }
0x43: {  	_ =	shalt  }
0x44: {  	_ =	shalt  }
0x45: {  	_ =	shalt  }
0x46: {  	_ =	shalt  }
0x47: {  	_ =	shalt  }
0x48: {  	_ =	shalt  }
0x49: {  	_ =	shalt  }
0x4a: {  	_ =	shalt  }
0x4b: {  	_ =	shalt  }
0x4c: {  	_ =	shalt  }
0x4d: {  	_ =	shalt  }
0x4e: {  	_ =	shalt  }
0x4f: {  	_ =	shalt  }
0x50: {  	_ =	shalt  }
0x51: {  	_ =	shalt  }
0x52: {  	_ =	shalt  }
0x53: {  	_ =	shalt  }
0x54: {  	_ =	shalt  }
0x55: {  	_ =	shalt  }
0x56: {  	_ =	shalt  }
0x57: {  	_ =	shalt  }
0x58: {  	_ =	shalt  }
0x59: {  	_ =	shalt  }
0x5a: {  	_ =	shalt  }
0x5b: {  	_ =	shalt  }
0x5c: {  	_ =	shalt  }
0x5d: {  	_ =	shalt  }
0x5e: {  	_ =	shalt  }
0x5f: {  	_ =	shalt  }
0x60: {  	_ =	shalt  }
0x61: {  	_ =	shalt  }
0x62: {  	_ =	shalt  }
0x63: {  	_ =	shalt  }
0x64: {  	_ =	shalt  }
0x65: {  	_ =	shalt  }
0x66: {  	_ =	shalt  }
0x67: {  	_ =	shalt  }
0x68: {  	_ =	shalt  }
0x69: {  	_ =	shalt  }
0x6a: {  	_ =	shalt  }
0x6b: {  	_ =	shalt  }
0x6c: {  	_ =	shalt  }
0x6d: {  	_ =	shalt  }
0x6e: {  	_ =	shalt  }
0x6f: {  	_ =	shalt  }
0x70: {  	_ =	shalt  }
0x71: {  	_ =	shalt  }
0x72: {  	_ =	shalt  }
0x73: {  	_ =	shalt  }
0x74: {  	_ =	shalt  }
0x75: {  	_ =	shalt  }
0x76: {  	_ =	shalt  }
0x77: {  	_ =	shalt  }
0x78: {  	_ =	shalt  }
0x79: {  	_ =	shalt  }
0x7a: {  	_ =	shalt  }
0x7b: {  	_ =	shalt  }
0x7c: {  	_ =	shalt  }
0x7d: {  	_ =	shalt  }
0x7e: {  	_ =	shalt  }
0x7f: {  	_ =	shalt  }
0x80: {  	_ =	shalt  }
0x81: {  	_ =	shalt  }
0x82: {  	_ =	shalt  }
0x83: {  	_ =	shalt  }
0x84: {  	_ =	shalt  }
0x85: {  	_ =	shalt  }
0x86: {  	_ =	shalt  }
0x87: {  	_ =	shalt  }
.Lfunc_end0:
.L_simem_size_0:
called_computation_lowered:
.L_overlay_start_0:
0x88: {  	s2 =	sld [smem:$0x3FD9]  }
0x89: {  	s3 =	sld [smem:$0x3FFE];
	_ =	sdelay $0x1  }
0x8a: {  	s1 =	srdreg.scid  }
0x8b: {  	s0 =	sand.u32 $0x1, s1  }
0x8c: {  	s14 =	sshll.u32 s0, $0xA;
	s2 =	sadd.s32 s3, s2  }
0x8d: {  	s2 =	sadd.s32 s2, s14  }
0x8e: {  	[smem:$0x3FC5] =	sst s2  }
0x8f: {  	_ = 	snop  }
0x90: {  	s2 =	sld [smem:$0x3FD0];
	_ =	sdelay $0x2  }
0x91: {  	s4 =	simm.s32 $0xA;
	s5 =	simm.s32 $0x10;
	s15 =	sld [smem:$0x3FC8]  }
0x92: {  	[smem:s5], [sflag:s4] =	dma.local [hbm:s2], $0x1  }
0x93: {  	_ =	swait.eq [sflag:s4], $0x1  }
0x94: {  	[sflag:s4] =	ssyncset.done $0x0  }
0x95: {  	[sflag:s4] =	ssyncadd.s32 $0xFFFFFFFF  }
0x96: {  	s16 =	sld [smem:$0x10];
	(tm) =	ssettm $0x1  }
0x97: {  	s17 =	sld [smem:$0x3FFB];
	_ =	sdelay $0x3  }
0x98: {  	_ =	strace s17  }
0x99: {  	s4 =	sld [smem:$0x3FFC];
	_ =	sdelay $0x3  }
0x9a: {  	_ =	strace s4  }
0x9b: {  	s4 =	sld [smem:$0x3FFD];
	_ =	sdelay $0x3  }
0x9c: {  	_ =	strace s4  }
0x9d: {  	_ =	strace $0x8FFFFFFF  }
0x9e: {  	s18 =	sld [smem:$0x3FDB];
	_ =	sdelay $0x1  }
0x9f: {  	s19 =	simm.s32 $_scs_section_size  }
0xa0: {  	s6 =	simm.s32 $_size__tile_overlayer_lowered;
	s7 =	simm.s32 $_tile_overlayer_lowered  }
0xa1: {  	s22 =	simm.s32 $0x1BFF;
	s21 =	sshll.u32 s7, $0x1;
	s4 =	sadd.s32 s19, s18  }
0xa2: {  	s8 =	simm.s32 $0x0;
	s20 =	sshll.u32 s6, $0x1;
	s6 =	sadd.s32 s21, s4  }
0xa3: {  	[timem:s8], [sflag:s22] =	dma.local [hbm:s6], s20  }
0xa4: {  	_ =	swait.ge [sflag:s22], s20  }
0xa5: {  	s5 =	ssub.s32 $0x0, s20;
	[sflag:s22] =	ssyncset.done $0x0  }
0xa6: {  	[sflag:s22] =	ssyncadd.s32 s5;
	_ =	sdelay $0x1  }
0xa7: {  	s23 =	simm.s32 $0x1B8B  }
0xa8: {  	_ =	swait.ge [sflag:s23], $0x1  }
0xa9: {  	[sflag:s23] =	ssyncset.done $0x0  }
0xaa: {  	s25 =	simm.s32 $0x1B8E;
	s24 =	sld [smem:$0x3FFE];
	[sflag:s23] =	ssyncadd.s32 $0xFFFFFFFF  }
0xab: {  	s26 =	simm.s32 $execute0_lowered;
	[smem:$0x3FD2] =	sst s25  }
0xac: {  	s6 =	sshll.u32 s26, $0x1;
	_ =	strace $0x80000046;
	[dreg:$0x1] =	wrdreg $0xFFFFFFFF  }
0xad: {  	s28 =	simm.s32 $_size_execute0_lowered;
	s4 =	sadd.s32 s4, s6;
	[dreg:$0x0] =	wrdreg $0x0  }
0xae: {  	s6 =	sshll.u32 s28, $0x1;
	[dreg:$0x2] =	wrdreg s4  }
0xaf: {  	[dreg:$0x3] =	wrdreg s6  }
0xb0: {  	[dreg:$0x4] =	wrdreg $0xC0  }
0xb1: {  	_ =	task [dreg:s8], $0x5FFFF  }
0xb2: {  	[dreg:$0x1] =	wrdreg $0xFFFFFFFF  }
0xb3: {  	[dreg:$0x0] =	wrdreg $0x60  }
0xb4: {  	[dreg:$0x2] =	wrdreg s16  }
0xb5: {  	[dreg:$0x3] =	wrdreg s24  }
0xb6: {  	[dreg:$0x4] =	wrdreg s15  }
0xb7: {  	[dreg:$0x5] =	wrdreg $0x9  }
0xb8: {  	_ =	task.clear_ibuf [dreg:s8], $0x6FFFF;
	_ =	strace $0x90000046  }
0xb9: {  	s29 =	simm.s32 $0x9;
	_ =	strace $0x80000048  }
0xba: {  	_ =	swait.ge [sflag:s29], $0x1  }
0xbb: {  	[sflag:s29] =	ssyncadd.s32 $0xFFFFFFFF  }
0xbc: {  	_ =	strace $0x90000048  }
0xbd: {  	_ =	sfence  }
0xbe: {  	s30 =	sld [smem:$0x0];
	_ =	sdelay $0x2  }
0xbf: {  	s31 =	sshll.u32 s1, $0xD;
	s1 =	sshrl.u32 s1, $0x2  }
0xc0: {  	s3 =	sand.u32 $0x4000, s31;
	s1 =	sadd.s32 s1, s30  }
0xc1: {  	s0 =	sor.u32 s3, s0;
	s1 =	sshll.u32 s1, $0x11  }
0xc2: {  	s0 =	sor.u32 s1, s0  }
0xc3: {  	s0 =	sadd.s32 $0x8F2B, s0  }
0xc4: {  	[sflag:s0] =	ssyncadd.remote.s32 $0x1  }
0xc5: {  	_ =	sfence.sel $0xFFFF  }
0xc6: {  	[dreg:$0x0] =	wrdreg $0xFFFFFFFF;
	(pc) =	sbr.abs _section_cstart, $3  }
0xc7: {  	[dreg:$0x1] =	wrdreg $0xFFFFFFFF  }
0xc8: {  	_ =	task.clear_ibuf [dreg:s8], $0x2FFFF;
	_ =	strace $0x9FFFFFFF  }
0xc9: {  	(tm) =	ssettm $0x7FFFFFFF  }
tec
execute0_lowered:
.L_overlay_start_1:
0x0: {  	(tag) =	ssettag $0x1  }
0x1: {  	s1 =	stileid.u32  }
0x2: {  	p0 =	sgt.u32 s1, $0x7  }
.Ltmp0:
0x3: {  	s2 =	rddreg [dreg:$0x0];
	(pc) =	sbr.rel @p0 .LBB2_4-.Ltmp0, $4  }
0x4: {  	s12 =	rddreg [dreg:$0x1]  }
0x5: {  	s4 =	rddreg [dreg:$0x2];
	s3 =	simm.s32 $0x0  }
0x6: {  	[smem:$0x7FF] =	sst s3  }
0x7: {  	s0 =	rddreg [dreg:$0x3];
	_ =	strace $0x80000047  }
0x8: {  	s5 =	srdreg.scid  }
0x9: {  	s30 =	sshll.u32 s1, $0x1;
	s13 =	sand.u32 $0x1, s5  }
0xa: {  	s14 =	sor.u32 s13, s30  }
0xb: {  	s5 =	sadd.s32 s4, s14;
	s4 =	simm.s32 $0x3  }
0xc: {  	[tilespmem:s3], [sflag:$0x3] =	stream.linear.gather [hbm4b:s5+s3], $0x8, $0x38;
	[tilespmem:$0x880] =	vst v63  }
0xd: {  	_ =	swait.ge [sflag:s4], $0x8  }
0xe: {  	[sflag:s4] =	ssyncset.done $0x0  }
0xf: {  	s6 =	simm.s32 $0x8;
	s7 =	simm.s32 $0x80;
	[sflag:s4] =	ssyncadd.s32 $0xFFFFFFF8  }
0x10: {  	[tilespmem:s7], [sflag:$0x1] =	stream.indirect.gather [hbm4b:s2+s6], $0x80, s3, s6, $0xb8;
	[tilespmem:$0x880] =	vst v63  }
0x11: {  	s8 =	sadd.s32 $0x1400, s12;
	s9 =	simm.s32 $0x480;
	s10 =	simm.s32 $0x1  }
0x12: {  	[tilespmem:s9], [sflag:$0x2] =	stream.indirect.gather [hbm4b:s8+s6], $0x80, s3, s6, $0xb8;
	[tilespmem:$0x880] =	vst v63  }
0x13: {  	_ =	swait.ge [sflag:s10], $0x400  }
0x14: {  	[sflag:s10] =	ssyncset.done $0x0  }
0x15: {  	s11 =	simm.s32 $0x2;
	s13 =	ssub.s32 $0x2, s13;
	[sflag:s10] =	ssyncadd.s32 $0xFFFFFC00  }
0x16: {  	s14 =	sshll.u32 s14, $0x7;
	s15 =	sshrl.u32 s13, $0x1;
	_ =	swait.ge [sflag:s11], $0x400  }
0x17: {  	s14 =	sadd.s32 s14, s12;
	s15 =	ssub.s32 s13, s15;
	[sflag:s11] =	ssyncset.done $0x0  }
0x18: {  	s12 =	sadd.s32 $0x5400, s14;
	s31 =	smax.u32 s15, $0x1;
	[sflag:s11] =	ssyncadd.s32 $0xFFFFFC00  }
0x19: {  	[hbm4b:s12+s3] =	stream.linear.scatter [tilespmem:s7], [sflag:$0x3], $0x400, $0x38;
	[tilespmem:$0x880] =	vst v63  }
0x1a: {  	p0 =	sne.s32 s31, $0x1;
	_ =	swait.ge [sflag:s4], $0x400  }
.Ltmp1:
0x1b: {  	[sflag:s4] =	ssyncset.done $0x0;
	(pc) =	sbr.rel @!p0 .LBB2_3-.Ltmp1, $4  }
0x1c: {  	s13 =	sadd.s32 $0x5C00, s14;
	[sflag:s4] =	ssyncadd.s32 $0xFFFFFC00  }
0x1d: {  	[hbm4b:s13+s3] =	stream.linear.scatter [tilespmem:s9], [sflag:$0x3], $0x400, $0x38;
	[tilespmem:$0x880] =	vst v63  }
0x1e: {  	_ =	swait.ge [sflag:s4], $0x400  }
0x1f: {  	s14 =	sadd.s32 $0xFFFFFFFF, s31;
	[sflag:s4] =	ssyncset.done $0x0  }
.LBB2_2:
0x20: {  	p0 =	sne.s32 s14, $0x1;
	s14 =	sadd.s32 $0xFFFFFFFF, s14;
	[sflag:s4] =	ssyncadd.s32 $0xFFFFFC00  }
0x21: {  	[tilespmem:s3], [sflag:$0x3] =	stream.linear.gather [hbm4b:s5+s3], $0x8, $0x38;
	[tilespmem:$0x880] =	vst v63  }
0x22: {  	_ =	swait.ge [sflag:s4], $0x8  }
0x23: {  	[sflag:s4] =	ssyncset.done $0x0  }
0x24: {  	[sflag:s4] =	ssyncadd.s32 $0xFFFFFFF8  }
0x25: {  	[tilespmem:s7], [sflag:$0x1] =	stream.indirect.gather [hbm4b:s2+s6], $0x80, s3, s6, $0xb8;
	[tilespmem:$0x880] =	vst v63  }
0x26: {  	_ = 	snop  }
0x27: {  	[tilespmem:s9], [sflag:$0x2] =	stream.indirect.gather [hbm4b:s8+s6], $0x80, s3, s6, $0xb8;
	[tilespmem:$0x880] =	vst v63  }
0x28: {  	_ =	swait.ge [sflag:s10], $0x400  }
0x29: {  	[sflag:s10] =	ssyncset.done $0x0  }
0x2a: {  	[sflag:s10] =	ssyncadd.s32 $0xFFFFFC00  }
0x2b: {  	_ =	swait.ge [sflag:s11], $0x400  }
0x2c: {  	[sflag:s11] =	ssyncset.done $0x0  }
0x2d: {  	[sflag:s11] =	ssyncadd.s32 $0xFFFFFC00  }
0x2e: {  	[hbm4b:s12+s3] =	stream.linear.scatter [tilespmem:s7], [sflag:$0x3], $0x400, $0x38;
	[tilespmem:$0x880] =	vst v63  }
0x2f: {  	_ =	swait.ge [sflag:s4], $0x400  }
.Ltmp2:
0x30: {  	[sflag:s4] =	ssyncset.done $0x0;
	(pc) =	sbr.rel @p0 .LBB2_2-.Ltmp2, $4  }
0x31: {  	[sflag:s4] =	ssyncadd.s32 $0xFFFFFC00  }
0x32: {  	[hbm4b:s13+s3] =	stream.linear.scatter [tilespmem:s9], [sflag:$0x3], $0x400, $0x38;
	[tilespmem:$0x880] =	vst v63  }
0x33: {  	_ =	swait.ge [sflag:s4], $0x400  }
0x34: {  	[sflag:s4] =	ssyncset.done $0x0  }
.LBB2_3:
0x35: {  	[sflag:s4] =	ssyncadd.s32 $0xFFFFFC00  }
.LBB2_4:
0x36: {  	_ =	sfence.sel $0x180000  }
0x37: {  	[bflag:$0x0] =	sbarrier.arrive $0xFFFF  }
0x38: {  	p0 =	sne.s32 s1, $0x0;
	_ =	strace $0x90000047  }
0x39: {  	s0 =	sadd.s32 @!p0 $0x100000, s0;
	[bflag:$0x2] =	sbarrier.arrive $0xFFFF  }
0x3a: {  	[sflag:s0] =	ssyncadd.tile.s32 @!p0 $0x1;
	_ =	shalt  }
.Lfunc_end2:
_tile_overlayer_lowered:
.L_overlay_start_2:
0x3b: {  	(tag) =	ssettag $0x2  }
0x3c: {  	s0 =	rddreg [dreg:$0x0];
	s2 =	stileid.u32  }
0x3d: {  	s1 =	rddreg [dreg:$0x1];
	p0 =	sne.s32 s2, $0x0  }
0x3e: {  	s3 =	rddreg [dreg:$0x2];
	[bflag:$0x3] =	sbarrier.arrive $0xFFFF;
	s2 =	simm.s32 @!p0 $0x1C03  }
0x3f: {  	[timem:s3], [sflag:s2] =	dma.local @!p0 [hbm:s0], s1  }
0x40: {  	s0 =	simm.s32 @!p0 $0x3  }
0x41: {  	_ =	swait.ge @!p0 [sflag:s0], s1  }
0x42: {  	s1 =	ssub.s32 @!p0 $0x0, s1;
	[sflag:s0] =	ssyncset.done @!p0 $0x0  }
0x43: {  	[sflag:s0] =	ssyncadd.s32 @!p0 s1  }
0x44: {  	[bflag:$0x3] =	sbarrier.arrive $0xFFFF  }
0x45: {  	_ =	shalt  }

</sc_bundles>
